<compile_context>
chip_gen: v7x
topology: tpu7x:2x2x1
jax: 0.10.2.dev20260603
libtpu: 0.0.44.dev20260713+nightly
codegen_flags: <defaults>
</compile_context>

<pallas_src>
import functools

import jax
import jax.numpy as jnp
from jax.experimental import pallas as pl
from jax.experimental.pallas import tpu as pltpu
from jax.experimental.pallas import tpu_sc as plsc

N = 10000
E = 320000
INPLANES = 128
PLANES = 32
EXPANSION = 4
EPS = 1e-5

PW = 48
NC = 2
NS = 16
NW = NC * NS
EPW = E // NW
K = 100
CH = EPW // K
NB = 10
ZR = N // NS

G = 5
R = N // G

_HIGH = jax.lax.Precision.DEFAULT


def _dot(a, b):
    return jnp.dot(a, b, preferred_element_type=jnp.float32, precision=_HIGH)


def _leaky(h):
    return jnp.where(h >= 0, h, 0.1 * h)


def _norm_from_stats(o, stats, g, b):
    mu = stats[0:1, :] * (1.0 / N)
    var = stats[1:2, :] * (1.0 / N) - mu * mu
    return g * (o - mu) / jnp.sqrt(var + EPS) + b


def _accum_stats(i, o, stats_ref):
    @pl.when(i == 0)
    def _():
        stats_ref[...] = jnp.zeros_like(stats_ref)
    s = jnp.sum(o, axis=0, keepdims=True)
    sq = jnp.sum(o * o, axis=0, keepdims=True)
    stats_ref[...] += jnp.concatenate([s, sq], axis=0)


def _rowspec(w):
    return pl.BlockSpec((R, w), lambda i: (i, 0))


def _fullspec(h, w):
    return pl.BlockSpec((h, w), lambda i: (0, 0))


def _stage_a1(x_ref, m_ref, w1_ref, b1_ref, o_ref, stats_ref):
    i = pl.program_id(0)
    m = m_ref[...]
    hold = (m > 0).astype(jnp.float32)
    ratio = hold / jnp.clip(m, EPS, None)
    o = _dot(x_ref[...] * m, w1_ref[...])
    o = o * ratio + b1_ref[...] * hold
    ci = jax.lax.broadcasted_iota(jnp.int32, (R, PW), 1)
    o = jnp.where(ci == PLANES, jnp.broadcast_to(m, (R, PW)), o)
    o_ref[...] = o
    _accum_stats(i, o, stats_ref)


_stage_a1_call = pl.pallas_call(
    _stage_a1,
    grid=(G,),
    in_specs=[_rowspec(INPLANES), _rowspec(1), _fullspec(INPLANES, PW),
              _fullspec(1, PW)],
    out_specs=(_rowspec(PW), _fullspec(2, PW)),
    out_shape=(
        jax.ShapeDtypeStruct((N, PW), jnp.float32),
        jax.ShapeDtypeStruct((2, PW), jnp.float32),
    ),
)


def _stage_a2(o_ref, stats_ref, g1_ref, be1_ref, pay_ref):
    ov = o_ref[...]
    m = ov[:, PLANES:PLANES + 1]
    hold = (m > 0).astype(jnp.float32)
    h = _leaky(_norm_from_stats(ov, stats_ref[...],
                                g1_ref[...], be1_ref[...]))
    hm = h * hold
    ci = jax.lax.broadcasted_iota(jnp.int32, (R, PW), 1)
    holdb = jnp.broadcast_to(hold, (R, PW))
    mb = jnp.broadcast_to(m, (R, PW))
    pay_ref[...] = jnp.where(ci < PLANES, hm,
                             jnp.where(ci == PLANES, holdb,
                                       jnp.where(ci == PLANES + 1, 1.0,
                                                 jnp.where(ci == PLANES + 2,
                                                           mb, 0.0))))


_stage_a2_call = pl.pallas_call(
    _stage_a2,
    grid=(G,),
    in_specs=[_rowspec(PW), _fullspec(2, PW), _fullspec(1, PW),
              _fullspec(1, PW)],
    out_specs=_rowspec(PW),
    out_shape=jax.ShapeDtypeStruct((N, PW), jnp.float32),
)


@functools.cache
def _sc_segsum_call():
    mesh = plsc.VectorSubcoreMesh(
        core_axis_name="c", subcore_axis_name="s",
        num_cores=NC, num_subcores=NS)

    @functools.partial(
        pl.kernel,
        out_type=jax.ShapeDtypeStruct((NC, NS, ZR, PW), jnp.float32),
        mesh=mesh,
        compiler_params=pltpu.CompilerParams(use_tc_tiling_on_sc=False),
        scratch_types=[
            pltpu.VMEM((CH, K), jnp.int32),
            pltpu.VMEM((CH, K), jnp.int32),
            pltpu.VMEM((NB, K, PW), jnp.float32),
            pltpu.VMEM_SHARED((N, PW), jnp.float32),
            pltpu.SemaphoreType.DMA((NB,)),
            pltpu.SemaphoreType.DMA((NB,)),
        ],
    )
    def _sc_segsum(payload_hbm, src_hbm, dst_hbm, zeros_hbm, out_hbm,
                   src_v, dst_v, bufs, acc_sh, gsem, ssem):
        c = jax.lax.axis_index("c")
        s = jax.lax.axis_index("s")
        wid = c * NS + s
        pltpu.sync_copy(zeros_hbm, acc_sh.at[pl.ds(s * ZR, ZR)])
        pltpu.sync_copy(src_hbm.at[wid], src_v)
        pltpu.sync_copy(dst_hbm.at[wid], dst_v)
        plsc.subcore_barrier()

        def group(g, carry):
            base = g * NB
            for b in range(NB):
                pltpu.async_copy(payload_hbm.at[src_v.at[base + b]],
                                 bufs.at[b], gsem.at[b])
            for b in range(NB):
                pltpu.make_async_copy(payload_hbm.at[src_v.at[base + b]],
                                      bufs.at[b], gsem.at[b]).wait()
                pltpu.async_copy(bufs.at[b], acc_sh.at[dst_v.at[base + b]],
                                 ssem.at[b], add=True)
            for b in range(NB):
                pltpu.make_async_copy(bufs.at[b],
                                      acc_sh.at[dst_v.at[base + b]],
                                      ssem.at[b]).wait()
            return carry

        jax.lax.fori_loop(0, CH // NB, group, 0)
        plsc.subcore_barrier()
        pltpu.sync_copy(acc_sh.at[pl.ds(s * ZR, ZR)], out_hbm.at[c, s])

    return _sc_segsum


def _stage_c1(acc_ref, p_ref, w2n_ref, w2s_ref, b2_ref,
              o2_ref, omask_ref, stats_ref):
    i = pl.program_id(0)
    p = p_ref[...]
    t = acc_ref[0] + acc_ref[1] + p
    msum = t[:, PLANES:PLANES + 1]
    cnt = t[:, PLANES + 1:PLANES + 2]
    mask = p[:, PLANES + 2:PLANES + 3]
    hold2 = (msum > 0).astype(jnp.float32)
    ratio2 = hold2 * cnt / jnp.clip(msum, EPS, None)
    o2 = _dot(t, w2n_ref[...]) + _dot(p, w2s_ref[...])
    o2 = o2 * ratio2 + b2_ref[...] * hold2
    mout = jnp.clip(msum, 0.0, 1.0)
    ci = jax.lax.broadcasted_iota(jnp.int32, (R, PW), 1)
    o2 = jnp.where(ci == PLANES, jnp.broadcast_to(mout, (R, PW)), o2)
    o2_ref[...] = o2
    omask_ref[...] = jnp.clip(mout + mask, 0.0, 1.0)
    _accum_stats(i, o2, stats_ref)


_stage_c1_call = pl.pallas_call(
    _stage_c1,
    grid=(G,),
    in_specs=[pl.BlockSpec((NC, R, PW), lambda i: (0, i, 0)), _rowspec(PW),
              _fullspec(PW, PW), _fullspec(PW, PW),
              _fullspec(1, PW)],
    out_specs=(_rowspec(PW), _rowspec(1), _fullspec(2, PW)),
    out_shape=(
        jax.ShapeDtypeStruct((N, PW), jnp.float32),
        jax.ShapeDtypeStruct((N, 1), jnp.float32),
        jax.ShapeDtypeStruct((2, PW), jnp.float32),
    ),
)


def _stage_c2(o2_ref, stats_ref, g2_ref, be2_ref, w3_ref, b3_ref,
              o3_ref, stats3_ref):
    i = pl.program_id(0)
    o2v = o2_ref[...]
    mout = o2v[:, PLANES:PLANES + 1]
    h2 = _leaky(_norm_from_stats(o2v, stats_ref[...],
                                 g2_ref[...], be2_ref[...]))
    hold3 = (mout > 0).astype(jnp.float32)
    ratio3 = hold3 / jnp.clip(mout, EPS, None)
    o3 = _dot(h2 * mout, w3_ref[...]) * ratio3 + b3_ref[...] * hold3
    o3_ref[...] = o3
    _accum_stats(i, o3, stats3_ref)


_stage_c2_call = pl.pallas_call(
    _stage_c2,
    grid=(G,),
    in_specs=[_rowspec(PW), _fullspec(2, PW),
              _fullspec(1, PW), _fullspec(1, PW),
              _fullspec(PW, INPLANES), _fullspec(1, INPLANES)],
    out_specs=(_rowspec(INPLANES), _fullspec(2, INPLANES)),
    out_shape=(
        jax.ShapeDtypeStruct((N, INPLANES), jnp.float32),
        jax.ShapeDtypeStruct((2, INPLANES), jnp.float32),
    ),
)


def _stage_c3(o3_ref, x_ref, stats_ref, g3_ref, be3_ref, out_ref):
    h3 = _norm_from_stats(o3_ref[...], stats_ref[...],
                          g3_ref[...], be3_ref[...])
    out_ref[...] = _leaky(h3 + x_ref[...])


_stage_c3_call = pl.pallas_call(
    _stage_c3,
    grid=(G,),
    in_specs=[_rowspec(INPLANES), _rowspec(INPLANES),
              _fullspec(2, INPLANES), _fullspec(1, INPLANES),
              _fullspec(1, INPLANES)],
    out_specs=_rowspec(INPLANES),
    out_shape=jax.ShapeDtypeStruct((N, INPLANES), jnp.float32),
)


def kernel(x, mask, edge_index, W1, b1, g1, be1, W2s, W2n, b2, g2, be2,
           W3, b3, g3, be3):
    src = edge_index[0].reshape(NW, CH, K)
    dst = edge_index[1].reshape(NW, CH, K)
    pd = PW - PLANES
    w1p = jnp.pad(W1, ((0, 0), (0, pd)))
    b1p = jnp.pad(b1, (0, pd)).reshape(1, PW)
    g1p = jnp.pad(g1, (0, pd)).reshape(1, PW)
    be1p = jnp.pad(be1, (0, pd)).reshape(1, PW)
    w2np = jnp.pad(W2n, ((0, pd), (0, pd)))
    w2sp = jnp.pad(W2s, ((0, pd), (0, pd)))
    b2p = jnp.pad(b2, (0, pd)).reshape(1, PW)
    g2p = jnp.pad(g2, (0, pd)).reshape(1, PW)
    be2p = jnp.pad(be2, (0, pd)).reshape(1, PW)
    w3p = jnp.pad(W3, ((0, pd), (0, 0)))

    o1, stats1 = _stage_a1_call(x, mask, w1p, b1p)
    payload = _stage_a2_call(o1, stats1, g1p, be1p)
    zeros_blk = jnp.zeros((ZR, PW), jnp.float32)
    acc = _sc_segsum_call()(payload, src, dst, zeros_blk)
    acc = acc.reshape(NC, N, PW)
    o2, omask, stats2 = _stage_c1_call(acc, payload, w2np, w2sp, b2p)
    o3, stats3 = _stage_c2_call(o2, stats2, g2p, be2p, w3p,
                                b3.reshape(1, INPLANES))
    out = _stage_c3_call(o3, x, stats3, g3.reshape(1, INPLANES),
                         be3.reshape(1, INPLANES))
    return (out, omask)

# --- scband reference (transcript-rebuilt; emitter-appended) ---
"""Pipeline reference for scband-bottleneck-66185446031552 (READ-ONLY COPY).

The authoritative reference and input builder live on the scoring server;
editing this copy changes nothing except your own understanding.
"""

import jax, jax.numpy as jnp
import numpy as np

N = 10000
E = 320000
INPLANES = 128
PLANES = 32
EXPANSION = 4
EPS = 1e-5


def setup_inputs(seed: int = 0) -> dict:
    key = jax.random.key(seed)
    ks = jax.random.split(key, 16)
    x = jax.random.normal(ks[0], (N, INPLANES), dtype=jnp.float32)
    mask = jax.random.uniform(ks[1], (N, 1), dtype=jnp.float32)
    edge_index = jax.random.randint(ks[2], (2, E), 0, N, dtype=jnp.int32)
    # conv1: 1x1 partial conv INPLANES -> PLANES
    W1 = jax.random.normal(ks[3], (INPLANES, PLANES), dtype=jnp.float32) / np.sqrt(INPLANES)
    b1 = jnp.zeros((PLANES,), jnp.float32)
    g1 = jnp.ones((PLANES,), jnp.float32)
    be1 = jnp.zeros((PLANES,), jnp.float32)
    # conv2: kernel-3 sparse partial conv as message passing PLANES -> PLANES
    W2s = jax.random.normal(ks[4], (PLANES, PLANES), dtype=jnp.float32) / np.sqrt(PLANES)
    W2n = jax.random.normal(ks[5], (PLANES, PLANES), dtype=jnp.float32) / np.sqrt(PLANES)
    b2 = jnp.zeros((PLANES,), jnp.float32)
    g2 = jnp.ones((PLANES,), jnp.float32)
    be2 = jnp.zeros((PLANES,), jnp.float32)
    # conv3: 1x1 partial conv PLANES -> PLANES*EXPANSION
    W3 = jax.random.normal(ks[6], (PLANES, PLANES * EXPANSION), dtype=jnp.float32) / np.sqrt(PLANES)
    b3 = jnp.zeros((PLANES * EXPANSION,), jnp.float32)
    g3 = jnp.ones((PLANES * EXPANSION,), jnp.float32)
    be3 = jnp.zeros((PLANES * EXPANSION,), jnp.float32)
    return {"x": x, "mask": mask, "edge_index": edge_index,
            "W1": W1, "b1": b1, "g1": g1, "be1": be1,
            "W2s": W2s, "W2n": W2n, "b2": b2, "g2": g2, "be2": be2,
            "W3": W3, "b3": b3, "g3": g3, "be3": be3}


def _leaky(h):
    return jnp.where(h >= 0, h, 0.1 * h)


def _inorm(h, g, b):
    mu = jnp.mean(h, axis=0, keepdims=True)
    var = jnp.var(h, axis=0, keepdims=True)
    return g * (h - mu) / jnp.sqrt(var + EPS) + b


def _pconv1x1(h, m, W, b):
    hold = (m > 0).astype(h.dtype)
    ratio = hold / jnp.clip(m, EPS, None)
    out = ((h * m) @ W) * ratio + b * hold
    return out, hold


def _pconv3(h, m, W_self, W_neigh, b, src, dst):
    hm = h * m
    agg = jax.ops.segment_sum(hm[src], dst, num_segments=N) + hm
    msum = jax.ops.segment_sum(m[src], dst, num_segments=N) + m
    cnt = jax.ops.segment_sum(jnp.ones((E, 1), jnp.float32), dst, num_segments=N) + 1.0
    hold = (msum > 0).astype(h.dtype)
    ratio = hold * cnt / jnp.clip(msum, EPS, None)
    out = (agg @ W_neigh + hm @ W_self) * ratio + b * hold
    mout = jnp.clip(msum, 0.0, 1.0)
    return out, mout


def reference(x, mask, edge_index, W1, b1, g1, be1, W2s, W2n, b2, g2, be2, W3, b3, g3, be3):
    src = edge_index[0]
    dst = edge_index[1]
    residual, residual_mask = x, mask
    out, out_mask = _pconv1x1(x, mask, W1, b1)
    out = _leaky(_inorm(out, g1, be1))
    out, out_mask = _pconv3(out, out_mask, W2s, W2n, b2, src, dst)
    out = _leaky(_inorm(out, g2, be2))
    out, out_mask = _pconv1x1(out, out_mask, W3, b3)
    out = _inorm(out, g3, be3)
    out = out + residual
    out = _leaky(out)
    out_mask = jnp.clip(out_mask + residual_mask, 0.0, 1.0)
    return (out, out_mask)

if __name__ == "__main__":
    import jax
    _d = setup_inputs()
    print(jax.jit(kernel)(*tuple(_d.values())))

</pallas_src>

<mosaic_0001>
#map = affine_map<(d0, d1) -> (0, 0)>
#map1 = affine_map<(d0, d1) -> (0, 0, 0)>
#map2 = affine_map<(d0, d1) -> (0, 0, 0, 0)>
module attributes {stable_mosaic.version = 14 : i64} {
  func.func @_sc_segsum(%arg0: i32, %arg1: i32, %arg2: memref<10000x48xf32, #tpu.memory_space<hbm>>, %arg3: memref<32x100x100xi32, #tpu.memory_space<hbm>>, %arg4: memref<32x100x100xi32, #tpu.memory_space<hbm>>, %arg5: memref<625x48xf32, #tpu.memory_space<hbm>>, %arg6: memref<2x16x625x48xf32, #tpu.memory_space<hbm>>, %arg7: memref<100x100xi32, #tpu.memory_space<vmem>>, %arg8: memref<100x100xi32, #tpu.memory_space<vmem>>, %arg9: memref<10x100x48xf32, #tpu.memory_space<vmem>>, %arg10: memref<10000x48xf32, #tpu.memory_space<vmem_shared>>, %arg11: memref<10x!tpu.dma_semaphore, #tpu.memory_space<semaphore_mem>>, %arg12: memref<10x!tpu.dma_semaphore, #tpu.memory_space<semaphore_mem>>) attributes {dimension_semantics = [#tpu.dimension_semantics<core_parallel>, #tpu.dimension_semantics<subcore_parallel>], iteration_bounds = array<i64: 2, 16>, scalar_prefetch = 0 : i64, scratch_operands = 6 : i64, tpu.core_type = #tpu.core_type<sc_vector_subcore>, window_params = [{transform_indices = #map}, {transform_indices = #map1}, {transform_indices = #map1}, {transform_indices = #map}, {transform_indices = #map2}]} {
    %mul3A = arith.constant 16 : i32
    %mul3A_0 = arith.muli %arg0, %mul3A : i32
    %add3A = arith.addi %mul3A_0, %arg1 : i32
    %mul3A_1 = arith.constant 625 : i32
    %mul3A_2 = arith.muli %arg1, %mul3A_1 : i32
    "tpu.region"() ({
      %run_scoped3A = tpu.sem_alloc : memref<!tpu.dma_semaphore, #tpu.memory_space<semaphore_mem>>
      %dma_start3A = arith.constant 0 : i32
      %dma_start3A_11 = tpu.memref_slice %arg10[%mul3A_2, %dma_start3A] : memref<10000x48xf32, #tpu.memory_space<vmem_shared>> -> memref<625x48xf32, #tpu.memory_space<vmem_shared>>
      tpu.enqueue_dma source(%arg5 : memref<625x48xf32, #tpu.memory_space<hbm>>) target(%dma_start3A_11 : memref<625x48xf32, #tpu.memory_space<vmem_shared>>) target_semaphore(%run_scoped3A : memref<!tpu.dma_semaphore, #tpu.memory_space<semaphore_mem>>)
      %dma_wait3A = arith.constant 0 : i32
      %dma_wait3A_12 = tpu.memref_slice %arg10[%mul3A_2, %dma_wait3A] : memref<10000x48xf32, #tpu.memory_space<vmem_shared>> -> memref<625x48xf32, #tpu.memory_space<vmem_shared>>
      tpu.wait_dma2 semaphore(%run_scoped3A : memref<!tpu.dma_semaphore, #tpu.memory_space<semaphore_mem>>) src(%arg5 : memref<625x48xf32, #tpu.memory_space<hbm>>) dst(%dma_wait3A_12 : memref<625x48xf32, #tpu.memory_space<vmem_shared>>)
      tpu.yield
    }) : () -> ()
    "tpu.region"() ({
      %run_scoped3A = tpu.sem_alloc : memref<!tpu.dma_semaphore, #tpu.memory_space<semaphore_mem>>
      %dma_start3A = arith.constant 0 : i32
      %dma_start3A_11 = arith.constant 0 : i32
      %dma_start3A_12 = tpu.memref_slice %arg3[%add3A, %dma_start3A, %dma_start3A_11] : memref<32x100x100xi32, #tpu.memory_space<hbm>> -> memref<1x100x100xi32, #tpu.memory_space<hbm>>
      %dma_start3A_13 = tpu.memref_squeeze %dma_start3A_12 : memref<1x100x100xi32, #tpu.memory_space<hbm>> -> memref<100x100xi32, #tpu.memory_space<hbm>>
      %dma_start3A_14 = arith.constant 0 : i32
      %dma_start3A_15 = arith.constant 0 : i32
      %dma_start3A_16 = tpu.memref_slice %arg3[%add3A, %dma_start3A_14, %dma_start3A_15] : memref<32x100x100xi32, #tpu.memory_space<hbm>> -> memref<1x100x100xi32, #tpu.memory_space<hbm>>
      %dma_start3A_17 = tpu.memref_squeeze %dma_start3A_16 : memref<1x100x100xi32, #tpu.memory_space<hbm>> -> memref<100x100xi32, #tpu.memory_space<hbm>>
      tpu.enqueue_dma source(%dma_start3A_17 : memref<100x100xi32, #tpu.memory_space<hbm>>) target(%arg7 : memref<100x100xi32, #tpu.memory_space<vmem>>) target_semaphore(%run_scoped3A : memref<!tpu.dma_semaphore, #tpu.memory_space<semaphore_mem>>)
      %dma_wait3A = arith.constant 0 : i32
      %dma_wait3A_18 = arith.constant 0 : i32
      %dma_wait3A_19 = tpu.memref_slice %arg3[%add3A, %dma_wait3A, %dma_wait3A_18] : memref<32x100x100xi32, #tpu.memory_space<hbm>> -> memref<1x100x100xi32, #tpu.memory_space<hbm>>
      %dma_wait3A_20 = tpu.memref_squeeze %dma_wait3A_19 : memref<1x100x100xi32, #tpu.memory_space<hbm>> -> memref<100x100xi32, #tpu.memory_space<hbm>>
      %dma_wait3A_21 = arith.constant 0 : i32
      %dma_wait3A_22 = arith.constant 0 : i32
      %dma_wait3A_23 = tpu.memref_slice %arg3[%add3A, %dma_wait3A_21, %dma_wait3A_22] : memref<32x100x100xi32, #tpu.memory_space<hbm>> -> memref<1x100x100xi32, #tpu.memory_space<hbm>>
      %dma_wait3A_24 = tpu.memref_squeeze %dma_wait3A_23 : memref<1x100x100xi32, #tpu.memory_space<hbm>> -> memref<100x100xi32, #tpu.memory_space<hbm>>
      tpu.wait_dma2 semaphore(%run_scoped3A : memref<!tpu.dma_semaphore, #tpu.memory_space<semaphore_mem>>) src(%dma_wait3A_24 : memref<100x100xi32, #tpu.memory_space<hbm>>) dst(%arg7 : memref<100x100xi32, #tpu.memory_space<vmem>>)
      tpu.yield
    }) : () -> ()
    "tpu.region"() ({
      %run_scoped3A = tpu.sem_alloc : memref<!tpu.dma_semaphore, #tpu.memory_space<semaphore_mem>>
      %dma_start3A = arith.constant 0 : i32
      %dma_start3A_11 = arith.constant 0 : i32
      %dma_start3A_12 = tpu.memref_slice %arg4[%add3A, %dma_start3A, %dma_start3A_11] : memref<32x100x100xi32, #tpu.memory_space<hbm>> -> memref<1x100x100xi32, #tpu.memory_space<hbm>>
      %dma_start3A_13 = tpu.memref_squeeze %dma_start3A_12 : memref<1x100x100xi32, #tpu.memory_space<hbm>> -> memref<100x100xi32, #tpu.memory_space<hbm>>
      %dma_start3A_14 = arith.constant 0 : i32
      %dma_start3A_15 = arith.constant 0 : i32
      %dma_start3A_16 = tpu.memref_slice %arg4[%add3A, %dma_start3A_14, %dma_start3A_15] : memref<32x100x100xi32, #tpu.memory_space<hbm>> -> memref<1x100x100xi32, #tpu.memory_space<hbm>>
      %dma_start3A_17 = tpu.memref_squeeze %dma_start3A_16 : memref<1x100x100xi32, #tpu.memory_space<hbm>> -> memref<100x100xi32, #tpu.memory_space<hbm>>
      tpu.enqueue_dma source(%dma_start3A_17 : memref<100x100xi32, #tpu.memory_space<hbm>>) target(%arg8 : memref<100x100xi32, #tpu.memory_space<vmem>>) target_semaphore(%run_scoped3A : memref<!tpu.dma_semaphore, #tpu.memory_space<semaphore_mem>>)
      %dma_wait3A = arith.constant 0 : i32
      %dma_wait3A_18 = arith.constant 0 : i32
      %dma_wait3A_19 = tpu.memref_slice %arg4[%add3A, %dma_wait3A, %dma_wait3A_18] : memref<32x100x100xi32, #tpu.memory_space<hbm>> -> memref<1x100x100xi32, #tpu.memory_space<hbm>>
      %dma_wait3A_20 = tpu.memref_squeeze %dma_wait3A_19 : memref<1x100x100xi32, #tpu.memory_space<hbm>> -> memref<100x100xi32, #tpu.memory_space<hbm>>
      %dma_wait3A_21 = arith.constant 0 : i32
      %dma_wait3A_22 = arith.constant 0 : i32
      %dma_wait3A_23 = tpu.memref_slice %arg4[%add3A, %dma_wait3A_21, %dma_wait3A_22] : memref<32x100x100xi32, #tpu.memory_space<hbm>> -> memref<1x100x100xi32, #tpu.memory_space<hbm>>
      %dma_wait3A_24 = tpu.memref_squeeze %dma_wait3A_23 : memref<1x100x100xi32, #tpu.memory_space<hbm>> -> memref<100x100xi32, #tpu.memory_space<hbm>>
      tpu.wait_dma2 semaphore(%run_scoped3A : memref<!tpu.dma_semaphore, #tpu.memory_space<semaphore_mem>>) src(%dma_wait3A_24 : memref<100x100xi32, #tpu.memory_space<hbm>>) dst(%arg8 : memref<100x100xi32, #tpu.memory_space<vmem>>)
      tpu.yield
    }) : () -> ()
    %barrier3A = arith.constant 0 : index
    tpu.barrier barrier_id(%barrier3A)
    %scan3A = arith.constant 0 : i32
    %scan3A_3 = arith.constant 0 : i32
    %scan3A_4 = arith.constant 10 : i32
    %scan3A_5 = arith.addi %scan3A_3, %scan3A_4 : i32
    %scan3A_6 = arith.constant 1 : i32
    scf.for %scan3A_11 = %scan3A_3 to %scan3A_5 step %scan3A_6  : i32 {
      %mul3A_12 = arith.constant 10 : i32
      %mul3A_13 = arith.muli %scan3A_11, %mul3A_12 : i32
      %add3A_14 = arith.constant 0 : i32
      %add3A_15 = arith.addi %mul3A_13, %add3A_14 : i32
      %dma_start3A = arith.constant 0 : i32
      %dma_start3A_16 = arith.constant 0 : i32
      %dma_start3A_17 = arith.constant 0 : i32
      %dma_start3A_18 = arith.constant 0 : i32
      %dma_start3A_19 = tpu.memref_slice %arg9[%dma_start3A, %dma_start3A_17, %dma_start3A_18] : memref<10x100x48xf32, #tpu.memory_space<vmem>> -> memref<1x100x48xf32, #tpu.memory_space<vmem>>
      %dma_start3A_20 = tpu.memref_squeeze %dma_start3A_19 : memref<1x100x48xf32, #tpu.memory_space<vmem>> -> memref<100x48xf32, #tpu.memory_space<vmem>>
      %dma_start3A_21 = arith.constant 0 : i32
      %dma_start3A_22 = tpu.memref_slice %arg7[%add3A_15, %dma_start3A_21] : memref<100x100xi32, #tpu.memory_space<vmem>> -> memref<1x100xi32, #tpu.memory_space<vmem>>
      %dma_start3A_23 = tpu.memref_squeeze %dma_start3A_22 : memref<1x100xi32, #tpu.memory_space<vmem>> -> memref<100xi32, #tpu.memory_space<vmem>>
      %dma_start3A_24 = arith.constant 0 : i32
      %dma_start3A_25 = arith.constant 0 : i32
      %dma_start3A_26 = tpu.memref_slice %arg2[%dma_start3A_24, %dma_start3A_25] : memref<10000x48xf32, #tpu.memory_space<hbm>> -> memref<10000x48xf32, #tpu.memory_space<hbm>>
      %dma_start3A_27 = tpu.memref_slice %arg11[%dma_start3A_16] : memref<10x!tpu.dma_semaphore, #tpu.memory_space<semaphore_mem>> -> memref<1x!tpu.dma_semaphore, #tpu.memory_space<semaphore_mem>>
      %dma_start3A_28 = tpu.memref_squeeze %dma_start3A_27 : memref<1x!tpu.dma_semaphore, #tpu.memory_space<semaphore_mem>> -> memref<!tpu.dma_semaphore, #tpu.memory_space<semaphore_mem>>
      tpu.enqueue_indirect_dma source(%dma_start3A_26 : memref<10000x48xf32, #tpu.memory_space<hbm>>) target(%dma_start3A_20 : memref<100x48xf32, #tpu.memory_space<vmem>>) offsets(%dma_start3A_23 : memref<100xi32, #tpu.memory_space<vmem>>) semaphore(%dma_start3A_28 : memref<!tpu.dma_semaphore, #tpu.memory_space<semaphore_mem>>)
      %add3A_29 = arith.constant 1 : i32
      %add3A_30 = arith.addi %mul3A_13, %add3A_29 : i32
      %dma_start3A_31 = arith.constant 1 : i32
      %dma_start3A_32 = arith.constant 1 : i32
      %dma_start3A_33 = arith.constant 0 : i32
      %dma_start3A_34 = arith.constant 0 : i32
      %dma_start3A_35 = tpu.memref_slice %arg9[%dma_start3A_31, %dma_start3A_33, %dma_start3A_34] : memref<10x100x48xf32, #tpu.memory_space<vmem>> -> memref<1x100x48xf32, #tpu.memory_space<vmem>>
      %dma_start3A_36 = tpu.memref_squeeze %dma_start3A_35 : memref<1x100x48xf32, #tpu.memory_space<vmem>> -> memref<100x48xf32, #tpu.memory_space<vmem>>
      %dma_start3A_37 = arith.constant 0 : i32
      %dma_start3A_38 = tpu.memref_slice %arg7[%add3A_30, %dma_start3A_37] : memref<100x100xi32, #tpu.memory_space<vmem>> -> memref<1x100xi32, #tpu.memory_space<vmem>>
      %dma_start3A_39 = tpu.memref_squeeze %dma_start3A_38 : memref<1x100xi32, #tpu.memory_space<vmem>> -> memref<100xi32, #tpu.memory_space<vmem>>
      %dma_start3A_40 = arith.constant 0 : i32
      %dma_start3A_41 = arith.constant 0 : i32
      %dma_start3A_42 = tpu.memref_slice %arg2[%dma_start3A_40, %dma_start3A_41] : memref<10000x48xf32, #tpu.memory_space<hbm>> -> memref<10000x48xf32, #tpu.memory_space<hbm>>
      %dma_start3A_43 = tpu.memref_slice %arg11[%dma_start3A_32] : memref<10x!tpu.dma_semaphore, #tpu.memory_space<semaphore_mem>> -> memref<1x!tpu.dma_semaphore, #tpu.memory_space<semaphore_mem>>
      %dma_start3A_44 = tpu.memref_squeeze %dma_start3A_43 : memref<1x!tpu.dma_semaphore, #tpu.memory_space<semaphore_mem>> -> memref<!tpu.dma_semaphore, #tpu.memory_space<semaphore_mem>>
      tpu.enqueue_indirect_dma source(%dma_start3A_42 : memref<10000x48xf32, #tpu.memory_space<hbm>>) target(%dma_start3A_36 : memref<100x48xf32, #tpu.memory_space<vmem>>) offsets(%dma_start3A_39 : memref<100xi32, #tpu.memory_space<vmem>>) semaphore(%dma_start3A_44 : memref<!tpu.dma_semaphore, #tpu.memory_space<semaphore_mem>>)
      %add3A_45 = arith.constant 2 : i32
      %add3A_46 = arith.addi %mul3A_13, %add3A_45 : i32
      %dma_start3A_47 = arith.constant 2 : i32
      %dma_start3A_48 = arith.constant 2 : i32
      %dma_start3A_49 = arith.constant 0 : i32
      %dma_start3A_50 = arith.constant 0 : i32
      %dma_start3A_51 = tpu.memref_slice %arg9[%dma_start3A_47, %dma_start3A_49, %dma_start3A_50] : memref<10x100x48xf32, #tpu.memory_space<vmem>> -> memref<1x100x48xf32, #tpu.memory_space<vmem>>
      %dma_start3A_52 = tpu.memref_squeeze %dma_start3A_51 : memref<1x100x48xf32, #tpu.memory_space<vmem>> -> memref<100x48xf32, #tpu.memory_space<vmem>>
      %dma_start3A_53 = arith.constant 0 : i32
      %dma_start3A_54 = tpu.memref_slice %arg7[%add3A_46, %dma_start3A_53] : memref<100x100xi32, #tpu.memory_space<vmem>> -> memref<1x100xi32, #tpu.memory_space<vmem>>
      %dma_start3A_55 = tpu.memref_squeeze %dma_start3A_54 : memref<1x100xi32, #tpu.memory_space<vmem>> -> memref<100xi32, #tpu.memory_space<vmem>>
      %dma_start3A_56 = arith.constant 0 : i32
      %dma_start3A_57 = arith.constant 0 : i32
      %dma_start3A_58 = tpu.memref_slice %arg2[%dma_start3A_56, %dma_start3A_57] : memref<10000x48xf32, #tpu.memory_space<hbm>> -> memref<10000x48xf32, #tpu.memory_space<hbm>>
      %dma_start3A_59 = tpu.memref_slice %arg11[%dma_start3A_48] : memref<10x!tpu.dma_semaphore, #tpu.memory_space<semaphore_mem>> -> memref<1x!tpu.dma_semaphore, #tpu.memory_space<semaphore_mem>>
      %dma_start3A_60 = tpu.memref_squeeze %dma_start3A_59 : memref<1x!tpu.dma_semaphore, #tpu.memory_space<semaphore_mem>> -> memref<!tpu.dma_semaphore, #tpu.memory_space<semaphore_mem>>
      tpu.enqueue_indirect_dma source(%dma_start3A_58 : memref<10000x48xf32, #tpu.memory_space<hbm>>) target(%dma_start3A_52 : memref<100x48xf32, #tpu.memory_space<vmem>>) offsets(%dma_start3A_55 : memref<100xi32, #tpu.memory_space<vmem>>) semaphore(%dma_start3A_60 : memref<!tpu.dma_semaphore, #tpu.memory_space<semaphore_mem>>)
      %add3A_61 = arith.constant 3 : i32
      %add3A_62 = arith.addi %mul3A_13, %add3A_61 : i32
      %dma_start3A_63 = arith.constant 3 : i32
      %dma_start3A_64 = arith.constant 3 : i32
      %dma_start3A_65 = arith.constant 0 : i32
      %dma_start3A_66 = arith.constant 0 : i32
      %dma_start3A_67 = tpu.memref_slice %arg9[%dma_start3A_63, %dma_start3A_65, %dma_start3A_66] : memref<10x100x48xf32, #tpu.memory_space<vmem>> -> memref<1x100x48xf32, #tpu.memory_space<vmem>>
      %dma_start3A_68 = tpu.memref_squeeze %dma_start3A_67 : memref<1x100x48xf32, #tpu.memory_space<vmem>> -> memref<100x48xf32, #tpu.memory_space<vmem>>
      %dma_start3A_69 = arith.constant 0 : i32
      %dma_start3A_70 = tpu.memref_slice %arg7[%add3A_62, %dma_start3A_69] : memref<100x100xi32, #tpu.memory_space<vmem>> -> memref<1x100xi32, #tpu.memory_space<vmem>>
      %dma_start3A_71 = tpu.memref_squeeze %dma_start3A_70 : memref<1x100xi32, #tpu.memory_space<vmem>> -> memref<100xi32, #tpu.memory_space<vmem>>
      %dma_start3A_72 = arith.constant 0 : i32
      %dma_start3A_73 = arith.constant 0 : i32
      %dma_start3A_74 = tpu.memref_slice %arg2[%dma_start3A_72, %dma_start3A_73] : memref<10000x48xf32, #tpu.memory_space<hbm>> -> memref<10000x48xf32, #tpu.memory_space<hbm>>
      %dma_start3A_75 = tpu.memref_slice %arg11[%dma_start3A_64] : memref<10x!tpu.dma_semaphore, #tpu.memory_space<semaphore_mem>> -> memref<1x!tpu.dma_semaphore, #tpu.memory_space<semaphore_mem>>
      %dma_start3A_76 = tpu.memref_squeeze %dma_start3A_75 : memref<1x!tpu.dma_semaphore, #tpu.memory_space<semaphore_mem>> -> memref<!tpu.dma_semaphore, #tpu.memory_space<semaphore_mem>>
      tpu.enqueue_indirect_dma source(%dma_start3A_74 : memref<10000x48xf32, #tpu.memory_space<hbm>>) target(%dma_start3A_68 : memref<100x48xf32, #tpu.memory_space<vmem>>) offsets(%dma_start3A_71 : memref<100xi32, #tpu.memory_space<vmem>>) semaphore(%dma_start3A_76 : memref<!tpu.dma_semaphore, #tpu.memory_space<semaphore_mem>>)
      %add3A_77 = arith.constant 4 : i32
      %add3A_78 = arith.addi %mul3A_13, %add3A_77 : i32
      %dma_start3A_79 = arith.constant 4 : i32
      %dma_start3A_80 = arith.constant 4 : i32
      %dma_start3A_81 = arith.constant 0 : i32
      %dma_start3A_82 = arith.constant 0 : i32
      %dma_start3A_83 = tpu.memref_slice %arg9[%dma_start3A_79, %dma_start3A_81, %dma_start3A_82] : memref<10x100x48xf32, #tpu.memory_space<vmem>> -> memref<1x100x48xf32, #tpu.memory_space<vmem>>
      %dma_start3A_84 = tpu.memref_squeeze %dma_start3A_83 : memref<1x100x48xf32, #tpu.memory_space<vmem>> -> memref<100x48xf32, #tpu.memory_space<vmem>>
      %dma_start3A_85 = arith.constant 0 : i32
      %dma_start3A_86 = tpu.memref_slice %arg7[%add3A_78, %dma_start3A_85] : memref<100x100xi32, #tpu.memory_space<vmem>> -> memref<1x100xi32, #tpu.memory_space<vmem>>
      %dma_start3A_87 = tpu.memref_squeeze %dma_start3A_86 : memref<1x100xi32, #tpu.memory_space<vmem>> -> memref<100xi32, #tpu.memory_space<vmem>>
      %dma_start3A_88 = arith.constant 0 : i32
      %dma_start3A_89 = arith.constant 0 : i32
      %dma_start3A_90 = tpu.memref_slice %arg2[%dma_start3A_88, %dma_start3A_89] : memref<10000x48xf32, #tpu.memory_space<hbm>> -> memref<10000x48xf32, #tpu.memory_space<hbm>>
      %dma_start3A_91 = tpu.memref_slice %arg11[%dma_start3A_80] : memref<10x!tpu.dma_semaphore, #tpu.memory_space<semaphore_mem>> -> memref<1x!tpu.dma_semaphore, #tpu.memory_space<semaphore_mem>>
      %dma_start3A_92 = tpu.memref_squeeze %dma_start3A_91 : memref<1x!tpu.dma_semaphore, #tpu.memory_space<semaphore_mem>> -> memref<!tpu.dma_semaphore, #tpu.memory_space<semaphore_mem>>
      tpu.enqueue_indirect_dma source(%dma_start3A_90 : memref<10000x48xf32, #tpu.memory_space<hbm>>) target(%dma_start3A_84 : memref<100x48xf32, #tpu.memory_space<vmem>>) offsets(%dma_start3A_87 : memref<100xi32, #tpu.memory_space<vmem>>) semaphore(%dma_start3A_92 : memref<!tpu.dma_semaphore, #tpu.memory_space<semaphore_mem>>)
      %add3A_93 = arith.constant 5 : i32
      %add3A_94 = arith.addi %mul3A_13, %add3A_93 : i32
      %dma_start3A_95 = arith.constant 5 : i32
      %dma_start3A_96 = arith.constant 5 : i32
      %dma_start3A_97 = arith.constant 0 : i32
      %dma_start3A_98 = arith.constant 0 : i32
      %dma_start3A_99 = tpu.memref_slice %arg9[%dma_start3A_95, %dma_start3A_97, %dma_start3A_98] : memref<10x100x48xf32, #tpu.memory_space<vmem>> -> memref<1x100x48xf32, #tpu.memory_space<vmem>>
      %dma_start3A_100 = tpu.memref_squeeze %dma_start3A_99 : memref<1x100x48xf32, #tpu.memory_space<vmem>> -> memref<100x48xf32, #tpu.memory_space<vmem>>
      %dma_start3A_101 = arith.constant 0 : i32
      %dma_start3A_102 = tpu.memref_slice %arg7[%add3A_94, %dma_start3A_101] : memref<100x100xi32, #tpu.memory_space<vmem>> -> memref<1x100xi32, #tpu.memory_space<vmem>>
      %dma_start3A_103 = tpu.memref_squeeze %dma_start3A_102 : memref<1x100xi32, #tpu.memory_space<vmem>> -> memref<100xi32, #tpu.memory_space<vmem>>
      %dma_start3A_104 = arith.constant 0 : i32
      %dma_start3A_105 = arith.constant 0 : i32
      %dma_start3A_106 = tpu.memref_slice %arg2[%dma_start3A_104, %dma_start3A_105] : memref<10000x48xf32, #tpu.memory_space<hbm>> -> memref<10000x48xf32, #tpu.memory_space<hbm>>
      %dma_start3A_107 = tpu.memref_slice %arg11[%dma_start3A_96] : memref<10x!tpu.dma_semaphore, #tpu.memory_space<semaphore_mem>> -> memref<1x!tpu.dma_semaphore, #tpu.memory_space<semaphore_mem>>
      %dma_start3A_108 = tpu.memref_squeeze %dma_start3A_107 : memref<1x!tpu.dma_semaphore, #tpu.memory_space<semaphore_mem>> -> memref<!tpu.dma_semaphore, #tpu.memory_space<semaphore_mem>>
      tpu.enqueue_indirect_dma source(%dma_start3A_106 : memref<10000x48xf32, #tpu.memory_space<hbm>>) target(%dma_start3A_100 : memref<100x48xf32, #tpu.memory_space<vmem>>) offsets(%dma_start3A_103 : memref<100xi32, #tpu.memory_space<vmem>>) semaphore(%dma_start3A_108 : memref<!tpu.dma_semaphore, #tpu.memory_space<semaphore_mem>>)
      %add3A_109 = arith.constant 6 : i32
      %add3A_110 = arith.addi %mul3A_13, %add3A_109 : i32
      %dma_start3A_111 = arith.constant 6 : i32
      %dma_start3A_112 = arith.constant 6 : i32
      %dma_start3A_113 = arith.constant 0 : i32
      %dma_start3A_114 = arith.constant 0 : i32
      %dma_start3A_115 = tpu.memref_slice %arg9[%dma_start3A_111, %dma_start3A_113, %dma_start3A_114] : memref<10x100x48xf32, #tpu.memory_space<vmem>> -> memref<1x100x48xf32, #tpu.memory_space<vmem>>
      %dma_start3A_116 = tpu.memref_squeeze %dma_start3A_115 : memref<1x100x48xf32, #tpu.memory_space<vmem>> -> memref<100x48xf32, #tpu.memory_space<vmem>>
      %dma_start3A_117 = arith.constant 0 : i32
      %dma_start3A_118 = tpu.memref_slice %arg7[%add3A_110, %dma_start3A_117] : memref<100x100xi32, #tpu.memory_space<vmem>> -> memref<1x100xi32, #tpu.memory_space<vmem>>
      %dma_start3A_119 = tpu.memref_squeeze %dma_start3A_118 : memref<1x100xi32, #tpu.memory_space<vmem>> -> memref<100xi32, #tpu.memory_space<vmem>>
      %dma_start3A_120 = arith.constant 0 : i32
      %dma_start3A_121 = arith.constant 0 : i32
      %dma_start3A_122 = tpu.memref_slice %arg2[%dma_start3A_120, %dma_start3A_121] : memref<10000x48xf32, #tpu.memory_space<hbm>> -> memref<10000x48xf32, #tpu.memory_space<hbm>>
      %dma_start3A_123 = tpu.memref_slice %arg11[%dma_start3A_112] : memref<10x!tpu.dma_semaphore, #tpu.memory_space<semaphore_mem>> -> memref<1x!tpu.dma_semaphore, #tpu.memory_space<semaphore_mem>>
      %dma_start3A_124 = tpu.memref_squeeze %dma_start3A_123 : memref<1x!tpu.dma_semaphore, #tpu.memory_space<semaphore_mem>> -> memref<!tpu.dma_semaphore, #tpu.memory_space<semaphore_mem>>
      tpu.enqueue_indirect_dma source(%dma_start3A_122 : memref<10000x48xf32, #tpu.memory_space<hbm>>) target(%dma_start3A_116 : memref<100x48xf32, #tpu.memory_space<vmem>>) offsets(%dma_start3A_119 : memref<100xi32, #tpu.memory_space<vmem>>) semaphore(%dma_start3A_124 : memref<!tpu.dma_semaphore, #tpu.memory_space<semaphore_mem>>)
      %add3A_125 = arith.constant 7 : i32
      %add3A_126 = arith.addi %mul3A_13, %add3A_125 : i32
      %dma_start3A_127 = arith.constant 7 : i32
      %dma_start3A_128 = arith.constant 7 : i32
      %dma_start3A_129 = arith.constant 0 : i32
      %dma_start3A_130 = arith.constant 0 : i32
      %dma_start3A_131 = tpu.memref_slice %arg9[%dma_start3A_127, %dma_start3A_129, %dma_start3A_130] : memref<10x100x48xf32, #tpu.memory_space<vmem>> -> memref<1x100x48xf32, #tpu.memory_space<vmem>>
      %dma_start3A_132 = tpu.memref_squeeze %dma_start3A_131 : memref<1x100x48xf32, #tpu.memory_space<vmem>> -> memref<100x48xf32, #tpu.memory_space<vmem>>
      %dma_start3A_133 = arith.constant 0 : i32
      %dma_start3A_134 = tpu.memref_slice %arg7[%add3A_126, %dma_start3A_133] : memref<100x100xi32, #tpu.memory_space<vmem>> -> memref<1x100xi32, #tpu.memory_space<vmem>>
      %dma_start3A_135 = tpu.memref_squeeze %dma_start3A_134 : memref<1x100xi32, #tpu.memory_space<vmem>> -> memref<100xi32, #tpu.memory_space<vmem>>
      %dma_start3A_136 = arith.constant 0 : i32
      %dma_start3A_137 = arith.constant 0 : i32
      %dma_start3A_138 = tpu.memref_slice %arg2[%dma_start3A_136, %dma_start3A_137] : memref<10000x48xf32, #tpu.memory_space<hbm>> -> memref<10000x48xf32, #tpu.memory_space<hbm>>
      %dma_start3A_139 = tpu.memref_slice %arg11[%dma_start3A_128] : memref<10x!tpu.dma_semaphore, #tpu.memory_space<semaphore_mem>> -> memref<1x!tpu.dma_semaphore, #tpu.memory_space<semaphore_mem>>
      %dma_start3A_140 = tpu.memref_squeeze %dma_start3A_139 : memref<1x!tpu.dma_semaphore, #tpu.memory_space<semaphore_mem>> -> memref<!tpu.dma_semaphore, #tpu.memory_space<semaphore_mem>>
      tpu.enqueue_indirect_dma source(%dma_start3A_138 : memref<10000x48xf32, #tpu.memory_space<hbm>>) target(%dma_start3A_132 : memref<100x48xf32, #tpu.memory_space<vmem>>) offsets(%dma_start3A_135 : memref<100xi32, #tpu.memory_space<vmem>>) semaphore(%dma_start3A_140 : memref<!tpu.dma_semaphore, #tpu.memory_space<semaphore_mem>>)
      %add3A_141 = arith.constant 8 : i32
      %add3A_142 = arith.addi %mul3A_13, %add3A_141 : i32
      %dma_start3A_143 = arith.constant 8 : i32
      %dma_start3A_144 = arith.constant 8 : i32
      %dma_start3A_145 = arith.constant 0 : i32
      %dma_start3A_146 = arith.constant 0 : i32
      %dma_start3A_147 = tpu.memref_slice %arg9[%dma_start3A_143, %dma_start3A_145, %dma_start3A_146] : memref<10x100x48xf32, #tpu.memory_space<vmem>> -> memref<1x100x48xf32, #tpu.memory_space<vmem>>
      %dma_start3A_148 = tpu.memref_squeeze %dma_start3A_147 : memref<1x100x48xf32, #tpu.memory_space<vmem>> -> memref<100x48xf32, #tpu.memory_space<vmem>>
      %dma_start3A_149 = arith.constant 0 : i32
      %dma_start3A_150 = tpu.memref_slice %arg7[%add3A_142, %dma_start3A_149] : memref<100x100xi32, #tpu.memory_space<vmem>> -> memref<1x100xi32, #tpu.memory_space<vmem>>
      %dma_start3A_151 = tpu.memref_squeeze %dma_start3A_150 : memref<1x100xi32, #tpu.memory_space<vmem>> -> memref<100xi32, #tpu.memory_space<vmem>>
      %dma_start3A_152 = arith.constant 0 : i32
      %dma_start3A_153 = arith.constant 0 : i32
      %dma_start3A_154 = tpu.memref_slice %arg2[%dma_start3A_152, %dma_start3A_153] : memref<10000x48xf32, #tpu.memory_space<hbm>> -> memref<10000x48xf32, #tpu.memory_space<hbm>>
      %dma_start3A_155 = tpu.memref_slice %arg11[%dma_start3A_144] : memref<10x!tpu.dma_semaphore, #tpu.memory_space<semaphore_mem>> -> memref<1x!tpu.dma_semaphore, #tpu.memory_space<semaphore_mem>>
      %dma_start3A_156 = tpu.memref_squeeze %dma_start3A_155 : memref<1x!tpu.dma_semaphore, #tpu.memory_space<semaphore_mem>> -> memref<!tpu.dma_semaphore, #tpu.memory_space<semaphore_mem>>
      tpu.enqueue_indirect_dma source(%dma_start3A_154 : memref<10000x48xf32, #tpu.memory_space<hbm>>) target(%dma_start3A_148 : memref<100x48xf32, #tpu.memory_space<vmem>>) offsets(%dma_start3A_151 : memref<100xi32, #tpu.memory_space<vmem>>) semaphore(%dma_start3A_156 : memref<!tpu.dma_semaphore, #tpu.memory_space<semaphore_mem>>)
      %add3A_157 = arith.constant 9 : i32
      %add3A_158 = arith.addi %mul3A_13, %add3A_157 : i32
      %dma_start3A_159 = arith.constant 9 : i32
      %dma_start3A_160 = arith.constant 9 : i32
      %dma_start3A_161 = arith.constant 0 : i32
      %dma_start3A_162 = arith.constant 0 : i32
      %dma_start3A_163 = tpu.memref_slice %arg9[%dma_start3A_159, %dma_start3A_161, %dma_start3A_162] : memref<10x100x48xf32, #tpu.memory_space<vmem>> -> memref<1x100x48xf32, #tpu.memory_space<vmem>>
      %dma_start3A_164 = tpu.memref_squeeze %dma_start3A_163 : memref<1x100x48xf32, #tpu.memory_space<vmem>> -> memref<100x48xf32, #tpu.memory_space<vmem>>
      %dma_start3A_165 = arith.constant 0 : i32
      %dma_start3A_166 = tpu.memref_slice %arg7[%add3A_158, %dma_start3A_165] : memref<100x100xi32, #tpu.memory_space<vmem>> -> memref<1x100xi32, #tpu.memory_space<vmem>>
      %dma_start3A_167 = tpu.memref_squeeze %dma_start3A_166 : memref<1x100xi32, #tpu.memory_space<vmem>> -> memref<100xi32, #tpu.memory_space<vmem>>
      %dma_start3A_168 = arith.constant 0 : i32
      %dma_start3A_169 = arith.constant 0 : i32
      %dma_start3A_170 = tpu.memref_slice %arg2[%dma_start3A_168, %dma_start3A_169] : memref<10000x48xf32, #tpu.memory_space<hbm>> -> memref<10000x48xf32, #tpu.memory_space<hbm>>
      %dma_start3A_171 = tpu.memref_slice %arg11[%dma_start3A_160] : memref<10x!tpu.dma_semaphore, #tpu.memory_space<semaphore_mem>> -> memref<1x!tpu.dma_semaphore, #tpu.memory_space<semaphore_mem>>
      %dma_start3A_172 = tpu.memref_squeeze %dma_start3A_171 : memref<1x!tpu.dma_semaphore, #tpu.memory_space<semaphore_mem>> -> memref<!tpu.dma_semaphore, #tpu.memory_space<semaphore_mem>>
      tpu.enqueue_indirect_dma source(%dma_start3A_170 : memref<10000x48xf32, #tpu.memory_space<hbm>>) target(%dma_start3A_164 : memref<100x48xf32, #tpu.memory_space<vmem>>) offsets(%dma_start3A_167 : memref<100xi32, #tpu.memory_space<vmem>>) semaphore(%dma_start3A_172 : memref<!tpu.dma_semaphore, #tpu.memory_space<semaphore_mem>>)
      %add3A_173 = arith.constant 0 : i32
      %add3A_174 = arith.addi %mul3A_13, %add3A_173 : i32
      %dma_wait3A = arith.constant 0 : i32
      %dma_wait3A_175 = arith.constant 0 : i32
      %dma_wait3A_176 = arith.constant 0 : i32
      %dma_wait3A_177 = arith.constant 0 : i32
      %dma_wait3A_178 = tpu.memref_slice %arg9[%dma_wait3A, %dma_wait3A_176, %dma_wait3A_177] : memref<10x100x48xf32, #tpu.memory_space<vmem>> -> memref<1x100x48xf32, #tpu.memory_space<vmem>>
      %dma_wait3A_179 = tpu.memref_squeeze %dma_wait3A_178 : memref<1x100x48xf32, #tpu.memory_space<vmem>> -> memref<100x48xf32, #tpu.memory_space<vmem>>
      %dma_wait3A_180 = arith.constant 0 : i32
      %dma_wait3A_181 = tpu.memref_slice %arg7[%add3A_174, %dma_wait3A_180] : memref<100x100xi32, #tpu.memory_space<vmem>> -> memref<1x100xi32, #tpu.memory_space<vmem>>
      %dma_wait3A_182 = tpu.memref_squeeze %dma_wait3A_181 : memref<1x100xi32, #tpu.memory_space<vmem>> -> memref<100xi32, #tpu.memory_space<vmem>>
      %dma_wait3A_183 = arith.constant 0 : i32
      %dma_wait3A_184 = arith.constant 0 : i32
      %dma_wait3A_185 = tpu.memref_slice %arg2[%dma_wait3A_183, %dma_wait3A_184] : memref<10000x48xf32, #tpu.memory_space<hbm>> -> memref<10000x48xf32, #tpu.memory_space<hbm>>
      %dma_wait3A_186 = tpu.memref_slice %arg11[%dma_wait3A_175] : memref<10x!tpu.dma_semaphore, #tpu.memory_space<semaphore_mem>> -> memref<1x!tpu.dma_semaphore, #tpu.memory_space<semaphore_mem>>
      %dma_wait3A_187 = tpu.memref_squeeze %dma_wait3A_186 : memref<1x!tpu.dma_semaphore, #tpu.memory_space<semaphore_mem>> -> memref<!tpu.dma_semaphore, #tpu.memory_space<semaphore_mem>>
      tpu.wait_indirect_dma semaphore(%dma_wait3A_187 : memref<!tpu.dma_semaphore, #tpu.memory_space<semaphore_mem>>) src(%dma_wait3A_185 : memref<10000x48xf32, #tpu.memory_space<hbm>>) dst(%dma_wait3A_179 : memref<100x48xf32, #tpu.memory_space<vmem>>)
      %add3A_188 = arith.constant 0 : i32
      %add3A_189 = arith.addi %mul3A_13, %add3A_188 : i32
      %dma_start3A_190 = arith.constant 0 : i32
      %dma_start3A_191 = arith.constant 0 : i32
      %dma_start3A_192 = arith.constant 0 : i32
      %dma_start3A_193 = arith.constant 0 : i32
      %dma_start3A_194 = tpu.memref_slice %arg9[%dma_start3A_190, %dma_start3A_192, %dma_start3A_193] : memref<10x100x48xf32, #tpu.memory_space<vmem>> -> memref<1x100x48xf32, #tpu.memory_space<vmem>>
      %dma_start3A_195 = tpu.memref_squeeze %dma_start3A_194 : memref<1x100x48xf32, #tpu.memory_space<vmem>> -> memref<100x48xf32, #tpu.memory_space<vmem>>
      %dma_start3A_196 = arith.constant 0 : i32
      %dma_start3A_197 = tpu.memref_slice %arg8[%add3A_189, %dma_start3A_196] : memref<100x100xi32, #tpu.memory_space<vmem>> -> memref<1x100xi32, #tpu.memory_space<vmem>>
      %dma_start3A_198 = tpu.memref_squeeze %dma_start3A_197 : memref<1x100xi32, #tpu.memory_space<vmem>> -> memref<100xi32, #tpu.memory_space<vmem>>
      %dma_start3A_199 = arith.constant 0 : i32
      %dma_start3A_200 = arith.constant 0 : i32
      %dma_start3A_201 = tpu.memref_slice %arg10[%dma_start3A_199, %dma_start3A_200] : memref<10000x48xf32, #tpu.memory_space<vmem_shared>> -> memref<10000x48xf32, #tpu.memory_space<vmem_shared>>
      %dma_start3A_202 = tpu.memref_slice %arg12[%dma_start3A_191] : memref<10x!tpu.dma_semaphore, #tpu.memory_space<semaphore_mem>> -> memref<1x!tpu.dma_semaphore, #tpu.memory_space<semaphore_mem>>
      %dma_start3A_203 = tpu.memref_squeeze %dma_start3A_202 : memref<1x!tpu.dma_semaphore, #tpu.memory_space<semaphore_mem>> -> memref<!tpu.dma_semaphore, #tpu.memory_space<semaphore_mem>>
      tpu.enqueue_indirect_dma source(%dma_start3A_195 : memref<100x48xf32, #tpu.memory_space<vmem>>) target(%dma_start3A_201 : memref<10000x48xf32, #tpu.memory_space<vmem_shared>>) offsets(%dma_start3A_198 : memref<100xi32, #tpu.memory_space<vmem>>) semaphore(%dma_start3A_203 : memref<!tpu.dma_semaphore, #tpu.memory_space<semaphore_mem>>) {add = true}
      %add3A_204 = arith.constant 1 : i32
      %add3A_205 = arith.addi %mul3A_13, %add3A_204 : i32
      %dma_wait3A_206 = arith.constant 1 : i32
      %dma_wait3A_207 = arith.constant 1 : i32
      %dma_wait3A_208 = arith.constant 0 : i32
      %dma_wait3A_209 = arith.constant 0 : i32
      %dma_wait3A_210 = tpu.memref_slice %arg9[%dma_wait3A_206, %dma_wait3A_208, %dma_wait3A_209] : memref<10x100x48xf32, #tpu.memory_space<vmem>> -> memref<1x100x48xf32, #tpu.memory_space<vmem>>
      %dma_wait3A_211 = tpu.memref_squeeze %dma_wait3A_210 : memref<1x100x48xf32, #tpu.memory_space<vmem>> -> memref<100x48xf32, #tpu.memory_space<vmem>>
      %dma_wait3A_212 = arith.constant 0 : i32
      %dma_wait3A_213 = tpu.memref_slice %arg7[%add3A_205, %dma_wait3A_212] : memref<100x100xi32, #tpu.memory_space<vmem>> -> memref<1x100xi32, #tpu.memory_space<vmem>>
      %dma_wait3A_214 = tpu.memref_squeeze %dma_wait3A_213 : memref<1x100xi32, #tpu.memory_space<vmem>> -> memref<100xi32, #tpu.memory_space<vmem>>
      %dma_wait3A_215 = arith.constant 0 : i32
      %dma_wait3A_216 = arith.constant 0 : i32
      %dma_wait3A_217 = tpu.memref_slice %arg2[%dma_wait3A_215, %dma_wait3A_216] : memref<10000x48xf32, #tpu.memory_space<hbm>> -> memref<10000x48xf32, #tpu.memory_space<hbm>>
      %dma_wait3A_218 = tpu.memref_slice %arg11[%dma_wait3A_207] : memref<10x!tpu.dma_semaphore, #tpu.memory_space<semaphore_mem>> -> memref<1x!tpu.dma_semaphore, #tpu.memory_space<semaphore_mem>>
      %dma_wait3A_219 = tpu.memref_squeeze %dma_wait3A_218 : memref<1x!tpu.dma_semaphore, #tpu.memory_space<semaphore_mem>> -> memref<!tpu.dma_semaphore, #tpu.memory_space<semaphore_mem>>
      tpu.wait_indirect_dma semaphore(%dma_wait3A_219 : memref<!tpu.dma_semaphore, #tpu.memory_space<semaphore_mem>>) src(%dma_wait3A_217 : memref<10000x48xf32, #tpu.memory_space<hbm>>) dst(%dma_wait3A_211 : memref<100x48xf32, #tpu.memory_space<vmem>>)
      %add3A_220 = arith.constant 1 : i32
      %add3A_221 = arith.addi %mul3A_13, %add3A_220 : i32
      %dma_start3A_222 = arith.constant 1 : i32
      %dma_start3A_223 = arith.constant 1 : i32
      %dma_start3A_224 = arith.constant 0 : i32
      %dma_start3A_225 = arith.constant 0 : i32
      %dma_start3A_226 = tpu.memref_slice %arg9[%dma_start3A_222, %dma_start3A_224, %dma_start3A_225] : memref<10x100x48xf32, #tpu.memory_space<vmem>> -> memref<1x100x48xf32, #tpu.memory_space<vmem>>
      %dma_start3A_227 = tpu.memref_squeeze %dma_start3A_226 : memref<1x100x48xf32, #tpu.memory_space<vmem>> -> memref<100x48xf32, #tpu.memory_space<vmem>>
      %dma_start3A_228 = arith.constant 0 : i32
      %dma_start3A_229 = tpu.memref_slice %arg8[%add3A_221, %dma_start3A_228] : memref<100x100xi32, #tpu.memory_space<vmem>> -> memref<1x100xi32, #tpu.memory_space<vmem>>
      %dma_start3A_230 = tpu.memref_squeeze %dma_start3A_229 : memref<1x100xi32, #tpu.memory_space<vmem>> -> memref<100xi32, #tpu.memory_space<vmem>>
      %dma_start3A_231 = arith.constant 0 : i32
      %dma_start3A_232 = arith.constant 0 : i32
      %dma_start3A_233 = tpu.memref_slice %arg10[%dma_start3A_231, %dma_start3A_232] : memref<10000x48xf32, #tpu.memory_space<vmem_shared>> -> memref<10000x48xf32, #tpu.memory_space<vmem_shared>>
      %dma_start3A_234 = tpu.memref_slice %arg12[%dma_start3A_223] : memref<10x!tpu.dma_semaphore, #tpu.memory_space<semaphore_mem>> -> memref<1x!tpu.dma_semaphore, #tpu.memory_space<semaphore_mem>>
      %dma_start3A_235 = tpu.memref_squeeze %dma_start3A_234 : memref<1x!tpu.dma_semaphore, #tpu.memory_space<semaphore_mem>> -> memref<!tpu.dma_semaphore, #tpu.memory_space<semaphore_mem>>
      tpu.enqueue_indirect_dma source(%dma_start3A_227 : memref<100x48xf32, #tpu.memory_space<vmem>>) target(%dma_start3A_233 : memref<10000x48xf32, #tpu.memory_space<vmem_shared>>) offsets(%dma_start3A_230 : memref<100xi32, #tpu.memory_space<vmem>>) semaphore(%dma_start3A_235 : memref<!tpu.dma_semaphore, #tpu.memory_space<semaphore_mem>>) {add = true}
      %add3A_236 = arith.constant 2 : i32
      %add3A_237 = arith.addi %mul3A_13, %add3A_236 : i32
      %dma_wait3A_238 = arith.constant 2 : i32
      %dma_wait3A_239 = arith.constant 2 : i32
      %dma_wait3A_240 = arith.constant 0 : i32
      %dma_wait3A_241 = arith.constant 0 : i32
      %dma_wait3A_242 = tpu.memref_slice %arg9[%dma_wait3A_238, %dma_wait3A_240, %dma_wait3A_241] : memref<10x100x48xf32, #tpu.memory_space<vmem>> -> memref<1x100x48xf32, #tpu.memory_space<vmem>>
      %dma_wait3A_243 = tpu.memref_squeeze %dma_wait3A_242 : memref<1x100x48xf32, #tpu.memory_space<vmem>> -> memref<100x48xf32, #tpu.memory_space<vmem>>
      %dma_wait3A_244 = arith.constant 0 : i32
      %dma_wait3A_245 = tpu.memref_slice %arg7[%add3A_237, %dma_wait3A_244] : memref<100x100xi32, #tpu.memory_space<vmem>> -> memref<1x100xi32, #tpu.memory_space<vmem>>
      %dma_wait3A_246 = tpu.memref_squeeze %dma_wait3A_245 : memref<1x100xi32, #tpu.memory_space<vmem>> -> memref<100xi32, #tpu.memory_space<vmem>>
      %dma_wait3A_247 = arith.constant 0 : i32
      %dma_wait3A_248 = arith.constant 0 : i32
      %dma_wait3A_249 = tpu.memref_slice %arg2[%dma_wait3A_247, %dma_wait3A_248] : memref<10000x48xf32, #tpu.memory_space<hbm>> -> memref<10000x48xf32, #tpu.memory_space<hbm>>
      %dma_wait3A_250 = tpu.memref_slice %arg11[%dma_wait3A_239] : memref<10x!tpu.dma_semaphore, #tpu.memory_space<semaphore_mem>> -> memref<1x!tpu.dma_semaphore, #tpu.memory_space<semaphore_mem>>
      %dma_wait3A_251 = tpu.memref_squeeze %dma_wait3A_250 : memref<1x!tpu.dma_semaphore, #tpu.memory_space<semaphore_mem>> -> memref<!tpu.dma_semaphore, #tpu.memory_space<semaphore_mem>>
      tpu.wait_indirect_dma semaphore(%dma_wait3A_251 : memref<!tpu.dma_semaphore, #tpu.memory_space<semaphore_mem>>) src(%dma_wait3A_249 : memref<10000x48xf32, #tpu.memory_space<hbm>>) dst(%dma_wait3A_243 : memref<100x48xf32, #tpu.memory_space<vmem>>)
      %add3A_252 = arith.constant 2 : i32
      %add3A_253 = arith.addi %mul3A_13, %add3A_252 : i32
      %dma_start3A_254 = arith.constant 2 : i32
      %dma_start3A_255 = arith.constant 2 : i32
      %dma_start3A_256 = arith.constant 0 : i32
      %dma_start3A_257 = arith.constant 0 : i32
      %dma_start3A_258 = tpu.memref_slice %arg9[%dma_start3A_254, %dma_start3A_256, %dma_start3A_257] : memref<10x100x48xf32, #tpu.memory_space<vmem>> -> memref<1x100x48xf32, #tpu.memory_space<vmem>>
      %dma_start3A_259 = tpu.memref_squeeze %dma_start3A_258 : memref<1x100x48xf32, #tpu.memory_space<vmem>> -> memref<100x48xf32, #tpu.memory_space<vmem>>
      %dma_start3A_260 = arith.constant 0 : i32
      %dma_start3A_261 = tpu.memref_slice %arg8[%add3A_253, %dma_start3A_260] : memref<100x100xi32, #tpu.memory_space<vmem>> -> memref<1x100xi32, #tpu.memory_space<vmem>>
      %dma_start3A_262 = tpu.memref_squeeze %dma_start3A_261 : memref<1x100xi32, #tpu.memory_space<vmem>> -> memref<100xi32, #tpu.memory_space<vmem>>
      %dma_start3A_263 = arith.constant 0 : i32
      %dma_start3A_264 = arith.constant 0 : i32
      %dma_start3A_265 = tpu.memref_slice %arg10[%dma_start3A_263, %dma_start3A_264] : memref<10000x48xf32, #tpu.memory_space<vmem_shared>> -> memref<10000x48xf32, #tpu.memory_space<vmem_shared>>
      %dma_start3A_266 = tpu.memref_slice %arg12[%dma_start3A_255] : memref<10x!tpu.dma_semaphore, #tpu.memory_space<semaphore_mem>> -> memref<1x!tpu.dma_semaphore, #tpu.memory_space<semaphore_mem>>
      %dma_start3A_267 = tpu.memref_squeeze %dma_start3A_266 : memref<1x!tpu.dma_semaphore, #tpu.memory_space<semaphore_mem>> -> memref<!tpu.dma_semaphore, #tpu.memory_space<semaphore_mem>>
      tpu.enqueue_indirect_dma source(%dma_start3A_259 : memref<100x48xf32, #tpu.memory_space<vmem>>) target(%dma_start3A_265 : memref<10000x48xf32, #tpu.memory_space<vmem_shared>>) offsets(%dma_start3A_262 : memref<100xi32, #tpu.memory_space<vmem>>) semaphore(%dma_start3A_267 : memref<!tpu.dma_semaphore, #tpu.memory_space<semaphore_mem>>) {add = true}
      %add3A_268 = arith.constant 3 : i32
      %add3A_269 = arith.addi %mul3A_13, %add3A_268 : i32
      %dma_wait3A_270 = arith.constant 3 : i32
      %dma_wait3A_271 = arith.constant 3 : i32
      %dma_wait3A_272 = arith.constant 0 : i32
      %dma_wait3A_273 = arith.constant 0 : i32
      %dma_wait3A_274 = tpu.memref_slice %arg9[%dma_wait3A_270, %dma_wait3A_272, %dma_wait3A_273] : memref<10x100x48xf32, #tpu.memory_space<vmem>> -> memref<1x100x48xf32, #tpu.memory_space<vmem>>
      %dma_wait3A_275 = tpu.memref_squeeze %dma_wait3A_274 : memref<1x100x48xf32, #tpu.memory_space<vmem>> -> memref<100x48xf32, #tpu.memory_space<vmem>>
      %dma_wait3A_276 = arith.constant 0 : i32
      %dma_wait3A_277 = tpu.memref_slice %arg7[%add3A_269, %dma_wait3A_276] : memref<100x100xi32, #tpu.memory_space<vmem>> -> memref<1x100xi32, #tpu.memory_space<vmem>>
      %dma_wait3A_278 = tpu.memref_squeeze %dma_wait3A_277 : memref<1x100xi32, #tpu.memory_space<vmem>> -> memref<100xi32, #tpu.memory_space<vmem>>
      %dma_wait3A_279 = arith.constant 0 : i32
      %dma_wait3A_280 = arith.constant 0 : i32
      %dma_wait3A_281 = tpu.memref_slice %arg2[%dma_wait3A_279, %dma_wait3A_280] : memref<10000x48xf32, #tpu.memory_space<hbm>> -> memref<10000x48xf32, #tpu.memory_space<hbm>>
      %dma_wait3A_282 = tpu.memref_slice %arg11[%dma_wait3A_271] : memref<10x!tpu.dma_semaphore, #tpu.memory_space<semaphore_mem>> -> memref<1x!tpu.dma_semaphore, #tpu.memory_space<semaphore_mem>>
      %dma_wait3A_283 = tpu.memref_squeeze %dma_wait3A_282 : memref<1x!tpu.dma_semaphore, #tpu.memory_space<semaphore_mem>> -> memref<!tpu.dma_semaphore, #tpu.memory_space<semaphore_mem>>
      tpu.wait_indirect_dma semaphore(%dma_wait3A_283 : memref<!tpu.dma_semaphore, #tpu.memory_space<semaphore_mem>>) src(%dma_wait3A_281 : memref<10000x48xf32, #tpu.memory_space<hbm>>) dst(%dma_wait3A_275 : memref<100x48xf32, #tpu.memory_space<vmem>>)
      %add3A_284 = arith.constant 3 : i32
      %add3A_285 = arith.addi %mul3A_13, %add3A_284 : i32
      %dma_start3A_286 = arith.constant 3 : i32
      %dma_start3A_287 = arith.constant 3 : i32
      %dma_start3A_288 = arith.constant 0 : i32
      %dma_start3A_289 = arith.constant 0 : i32
      %dma_start3A_290 = tpu.memref_slice %arg9[%dma_start3A_286, %dma_start3A_288, %dma_start3A_289] : memref<10x100x48xf32, #tpu.memory_space<vmem>> -> memref<1x100x48xf32, #tpu.memory_space<vmem>>
      %dma_start3A_291 = tpu.memref_squeeze %dma_start3A_290 : memref<1x100x48xf32, #tpu.memory_space<vmem>> -> memref<100x48xf32, #tpu.memory_space<vmem>>
      %dma_start3A_292 = arith.constant 0 : i32
      %dma_start3A_293 = tpu.memref_slice %arg8[%add3A_285, %dma_start3A_292] : memref<100x100xi32, #tpu.memory_space<vmem>> -> memref<1x100xi32, #tpu.memory_space<vmem>>
      %dma_start3A_294 = tpu.memref_squeeze %dma_start3A_293 : memref<1x100xi32, #tpu.memory_space<vmem>> -> memref<100xi32, #tpu.memory_space<vmem>>
      %dma_start3A_295 = arith.constant 0 : i32
      %dma_start3A_296 = arith.constant 0 : i32
      %dma_start3A_297 = tpu.memref_slice %arg10[%dma_start3A_295, %dma_start3A_296] : memref<10000x48xf32, #tpu.memory_space<vmem_shared>> -> memref<10000x48xf32, #tpu.memory_space<vmem_shared>>
      %dma_start3A_298 = tpu.memref_slice %arg12[%dma_start3A_287] : memref<10x!tpu.dma_semaphore, #tpu.memory_space<semaphore_mem>> -> memref<1x!tpu.dma_semaphore, #tpu.memory_space<semaphore_mem>>
      %dma_start3A_299 = tpu.memref_squeeze %dma_start3A_298 : memref<1x!tpu.dma_semaphore, #tpu.memory_space<semaphore_mem>> -> memref<!tpu.dma_semaphore, #tpu.memory_space<semaphore_mem>>
      tpu.enqueue_indirect_dma source(%dma_start3A_291 : memref<100x48xf32, #tpu.memory_space<vmem>>) target(%dma_start3A_297 : memref<10000x48xf32, #tpu.memory_space<vmem_shared>>) offsets(%dma_start3A_294 : memref<100xi32, #tpu.memory_space<vmem>>) semaphore(%dma_start3A_299 : memref<!tpu.dma_semaphore, #tpu.memory_space<semaphore_mem>>) {add = true}
      %add3A_300 = arith.constant 4 : i32
      %add3A_301 = arith.addi %mul3A_13, %add3A_300 : i32
      %dma_wait3A_302 = arith.constant 4 : i32
      %dma_wait3A_303 = arith.constant 4 : i32
      %dma_wait3A_304 = arith.constant 0 : i32
      %dma_wait3A_305 = arith.constant 0 : i32
      %dma_wait3A_306 = tpu.memref_slice %arg9[%dma_wait3A_302, %dma_wait3A_304, %dma_wait3A_305] : memref<10x100x48xf32, #tpu.memory_space<vmem>> -> memref<1x100x48xf32, #tpu.memory_space<vmem>>
      %dma_wait3A_307 = tpu.memref_squeeze %dma_wait3A_306 : memref<1x100x48xf32, #tpu.memory_space<vmem>> -> memref<100x48xf32, #tpu.memory_space<vmem>>
      %dma_wait3A_308 = arith.constant 0 : i32
      %dma_wait3A_309 = tpu.memref_slice %arg7[%add3A_301, %dma_wait3A_308] : memref<100x100xi32, #tpu.memory_space<vmem>> -> memref<1x100xi32, #tpu.memory_space<vmem>>
      %dma_wait3A_310 = tpu.memref_squeeze %dma_wait3A_309 : memref<1x100xi32, #tpu.memory_space<vmem>> -> memref<100xi32, #tpu.memory_space<vmem>>
      %dma_wait3A_311 = arith.constant 0 : i32
      %dma_wait3A_312 = arith.constant 0 : i32
      %dma_wait3A_313 = tpu.memref_slice %arg2[%dma_wait3A_311, %dma_wait3A_312] : memref<10000x48xf32, #tpu.memory_space<hbm>> -> memref<10000x48xf32, #tpu.memory_space<hbm>>
      %dma_wait3A_314 = tpu.memref_slice %arg11[%dma_wait3A_303] : memref<10x!tpu.dma_semaphore, #tpu.memory_space<semaphore_mem>> -> memref<1x!tpu.dma_semaphore, #tpu.memory_space<semaphore_mem>>
      %dma_wait3A_315 = tpu.memref_squeeze %dma_wait3A_314 : memref<1x!tpu.dma_semaphore, #tpu.memory_space<semaphore_mem>> -> memref<!tpu.dma_semaphore, #tpu.memory_space<semaphore_mem>>
      tpu.wait_indirect_dma semaphore(%dma_wait3A_315 : memref<!tpu.dma_semaphore, #tpu.memory_space<semaphore_mem>>) src(%dma_wait3A_313 : memref<10000x48xf32, #tpu.memory_space<hbm>>) dst(%dma_wait3A_307 : memref<100x48xf32, #tpu.memory_space<vmem>>)
      %add3A_316 = arith.constant 4 : i32
      %add3A_317 = arith.addi %mul3A_13, %add3A_316 : i32
      %dma_start3A_318 = arith.constant 4 : i32
      %dma_start3A_319 = arith.constant 4 : i32
      %dma_start3A_320 = arith.constant 0 : i32
      %dma_start3A_321 = arith.constant 0 : i32
      %dma_start3A_322 = tpu.memref_slice %arg9[%dma_start3A_318, %dma_start3A_320, %dma_start3A_321] : memref<10x100x48xf32, #tpu.memory_space<vmem>> -> memref<1x100x48xf32, #tpu.memory_space<vmem>>
      %dma_start3A_323 = tpu.memref_squeeze %dma_start3A_322 : memref<1x100x48xf32, #tpu.memory_space<vmem>> -> memref<100x48xf32, #tpu.memory_space<vmem>>
      %dma_start3A_324 = arith.constant 0 : i32
      %dma_start3A_325 = tpu.memref_slice %arg8[%add3A_317, %dma_start3A_324] : memref<100x100xi32, #tpu.memory_space<vmem>> -> memref<1x100xi32, #tpu.memory_space<vmem>>
      %dma_start3A_326 = tpu.memref_squeeze %dma_start3A_325 : memref<1x100xi32, #tpu.memory_space<vmem>> -> memref<100xi32, #tpu.memory_space<vmem>>
      %dma_start3A_327 = arith.constant 0 : i32
      %dma_start3A_328 = arith.constant 0 : i32
      %dma_start3A_329 = tpu.memref_slice %arg10[%dma_start3A_327, %dma_start3A_328] : memref<10000x48xf32, #tpu.memory_space<vmem_shared>> -> memref<10000x48xf32, #tpu.memory_space<vmem_shared>>
      %dma_start3A_330 = tpu.memref_slice %arg12[%dma_start3A_319] : memref<10x!tpu.dma_semaphore, #tpu.memory_space<semaphore_mem>> -> memref<1x!tpu.dma_semaphore, #tpu.memory_space<semaphore_mem>>
      %dma_start3A_331 = tpu.memref_squeeze %dma_start3A_330 : memref<1x!tpu.dma_semaphore, #tpu.memory_space<semaphore_mem>> -> memref<!tpu.dma_semaphore, #tpu.memory_space<semaphore_mem>>
      tpu.enqueue_indirect_dma source(%dma_start3A_323 : memref<100x48xf32, #tpu.memory_space<vmem>>) target(%dma_start3A_329 : memref<10000x48xf32, #tpu.memory_space<vmem_shared>>) offsets(%dma_start3A_326 : memref<100xi32, #tpu.memory_space<vmem>>) semaphore(%dma_start3A_331 : memref<!tpu.dma_semaphore, #tpu.memory_space<semaphore_mem>>) {add = true}
      %add3A_332 = arith.constant 5 : i32
      %add3A_333 = arith.addi %mul3A_13, %add3A_332 : i32
      %dma_wait3A_334 = arith.constant 5 : i32
      %dma_wait3A_335 = arith.constant 5 : i32
      %dma_wait3A_336 = arith.constant 0 : i32
      %dma_wait3A_337 = arith.constant 0 : i32
      %dma_wait3A_338 = tpu.memref_slice %arg9[%dma_wait3A_334, %dma_wait3A_336, %dma_wait3A_337] : memref<10x100x48xf32, #tpu.memory_space<vmem>> -> memref<1x100x48xf32, #tpu.memory_space<vmem>>
      %dma_wait3A_339 = tpu.memref_squeeze %dma_wait3A_338 : memref<1x100x48xf32, #tpu.memory_space<vmem>> -> memref<100x48xf32, #tpu.memory_space<vmem>>
      %dma_wait3A_340 = arith.constant 0 : i32
      %dma_wait3A_341 = tpu.memref_slice %arg7[%add3A_333, %dma_wait3A_340] : memref<100x100xi32, #tpu.memory_space<vmem>> -> memref<1x100xi32, #tpu.memory_space<vmem>>
      %dma_wait3A_342 = tpu.memref_squeeze %dma_wait3A_341 : memref<1x100xi32, #tpu.memory_space<vmem>> -> memref<100xi32, #tpu.memory_space<vmem>>
      %dma_wait3A_343 = arith.constant 0 : i32
      %dma_wait3A_344 = arith.constant 0 : i32
      %dma_wait3A_345 = tpu.memref_slice %arg2[%dma_wait3A_343, %dma_wait3A_344] : memref<10000x48xf32, #tpu.memory_space<hbm>> -> memref<10000x48xf32, #tpu.memory_space<hbm>>
      %dma_wait3A_346 = tpu.memref_slice %arg11[%dma_wait3A_335] : memref<10x!tpu.dma_semaphore, #tpu.memory_space<semaphore_mem>> -> memref<1x!tpu.dma_semaphore, #tpu.memory_space<semaphore_mem>>
      %dma_wait3A_347 = tpu.memref_squeeze %dma_wait3A_346 : memref<1x!tpu.dma_semaphore, #tpu.memory_space<semaphore_mem>> -> memref<!tpu.dma_semaphore, #tpu.memory_space<semaphore_mem>>
      tpu.wait_indirect_dma semaphore(%dma_wait3A_347 : memref<!tpu.dma_semaphore, #tpu.memory_space<semaphore_mem>>) src(%dma_wait3A_345 : memref<10000x48xf32, #tpu.memory_space<hbm>>) dst(%dma_wait3A_339 : memref<100x48xf32, #tpu.memory_space<vmem>>)
      %add3A_348 = arith.constant 5 : i32
      %add3A_349 = arith.addi %mul3A_13, %add3A_348 : i32
      %dma_start3A_350 = arith.constant 5 : i32
      %dma_start3A_351 = arith.constant 5 : i32
      %dma_start3A_352 = arith.constant 0 : i32
      %dma_start3A_353 = arith.constant 0 : i32
      %dma_start3A_354 = tpu.memref_slice %arg9[%dma_start3A_350, %dma_start3A_352, %dma_start3A_353] : memref<10x100x48xf32, #tpu.memory_space<vmem>> -> memref<1x100x48xf32, #tpu.memory_space<vmem>>
      %dma_start3A_355 = tpu.memref_squeeze %dma_start3A_354 : memref<1x100x48xf32, #tpu.memory_space<vmem>> -> memref<100x48xf32, #tpu.memory_space<vmem>>
      %dma_start3A_356 = arith.constant 0 : i32
      %dma_start3A_357 = tpu.memref_slice %arg8[%add3A_349, %dma_start3A_356] : memref<100x100xi32, #tpu.memory_space<vmem>> -> memref<1x100xi32, #tpu.memory_space<vmem>>
      %dma_start3A_358 = tpu.memref_squeeze %dma_start3A_357 : memref<1x100xi32, #tpu.memory_space<vmem>> -> memref<100xi32, #tpu.memory_space<vmem>>
      %dma_start3A_359 = arith.constant 0 : i32
      %dma_start3A_360 = arith.constant 0 : i32
      %dma_start3A_361 = tpu.memref_slice %arg10[%dma_start3A_359, %dma_start3A_360] : memref<10000x48xf32, #tpu.memory_space<vmem_shared>> -> memref<10000x48xf32, #tpu.memory_space<vmem_shared>>
      %dma_start3A_362 = tpu.memref_slice %arg12[%dma_start3A_351] : memref<10x!tpu.dma_semaphore, #tpu.memory_space<semaphore_mem>> -> memref<1x!tpu.dma_semaphore, #tpu.memory_space<semaphore_mem>>
      %dma_start3A_363 = tpu.memref_squeeze %dma_start3A_362 : memref<1x!tpu.dma_semaphore, #tpu.memory_space<semaphore_mem>> -> memref<!tpu.dma_semaphore, #tpu.memory_space<semaphore_mem>>
      tpu.enqueue_indirect_dma source(%dma_start3A_355 : memref<100x48xf32, #tpu.memory_space<vmem>>) target(%dma_start3A_361 : memref<10000x48xf32, #tpu.memory_space<vmem_shared>>) offsets(%dma_start3A_358 : memref<100xi32, #tpu.memory_space<vmem>>) semaphore(%dma_start3A_363 : memref<!tpu.dma_semaphore, #tpu.memory_space<semaphore_mem>>) {add = true}
      %add3A_364 = arith.constant 6 : i32
      %add3A_365 = arith.addi %mul3A_13, %add3A_364 : i32
      %dma_wait3A_366 = arith.constant 6 : i32
      %dma_wait3A_367 = arith.constant 6 : i32
      %dma_wait3A_368 = arith.constant 0 : i32
      %dma_wait3A_369 = arith.constant 0 : i32
      %dma_wait3A_370 = tpu.memref_slice %arg9[%dma_wait3A_366, %dma_wait3A_368, %dma_wait3A_369] : memref<10x100x48xf32, #tpu.memory_space<vmem>> -> memref<1x100x48xf32, #tpu.memory_space<vmem>>
      %dma_wait3A_371 = tpu.memref_squeeze %dma_wait3A_370 : memref<1x100x48xf32, #tpu.memory_space<vmem>> -> memref<100x48xf32, #tpu.memory_space<vmem>>
      %dma_wait3A_372 = arith.constant 0 : i32
      %dma_wait3A_373 = tpu.memref_slice %arg7[%add3A_365, %dma_wait3A_372] : memref<100x100xi32, #tpu.memory_space<vmem>> -> memref<1x100xi32, #tpu.memory_space<vmem>>
      %dma_wait3A_374 = tpu.memref_squeeze %dma_wait3A_373 : memref<1x100xi32, #tpu.memory_space<vmem>> -> memref<100xi32, #tpu.memory_space<vmem>>
      %dma_wait3A_375 = arith.constant 0 : i32
      %dma_wait3A_376 = arith.constant 0 : i32
      %dma_wait3A_377 = tpu.memref_slice %arg2[%dma_wait3A_375, %dma_wait3A_376] : memref<10000x48xf32, #tpu.memory_space<hbm>> -> memref<10000x48xf32, #tpu.memory_space<hbm>>
      %dma_wait3A_378 = tpu.memref_slice %arg11[%dma_wait3A_367] : memref<10x!tpu.dma_semaphore, #tpu.memory_space<semaphore_mem>> -> memref<1x!tpu.dma_semaphore, #tpu.memory_space<semaphore_mem>>
      %dma_wait3A_379 = tpu.memref_squeeze %dma_wait3A_378 : memref<1x!tpu.dma_semaphore, #tpu.memory_space<semaphore_mem>> -> memref<!tpu.dma_semaphore, #tpu.memory_space<semaphore_mem>>
      tpu.wait_indirect_dma semaphore(%dma_wait3A_379 : memref<!tpu.dma_semaphore, #tpu.memory_space<semaphore_mem>>) src(%dma_wait3A_377 : memref<10000x48xf32, #tpu.memory_space<hbm>>) dst(%dma_wait3A_371 : memref<100x48xf32, #tpu.memory_space<vmem>>)
      %add3A_380 = arith.constant 6 : i32
      %add3A_381 = arith.addi %mul3A_13, %add3A_380 : i32
      %dma_start3A_382 = arith.constant 6 : i32
      %dma_start3A_383 = arith.constant 6 : i32
      %dma_start3A_384 = arith.constant 0 : i32
      %dma_start3A_385 = arith.constant 0 : i32
      %dma_start3A_386 = tpu.memref_slice %arg9[%dma_start3A_382, %dma_start3A_384, %dma_start3A_385] : memref<10x100x48xf32, #tpu.memory_space<vmem>> -> memref<1x100x48xf32, #tpu.memory_space<vmem>>
      %dma_start3A_387 = tpu.memref_squeeze %dma_start3A_386 : memref<1x100x48xf32, #tpu.memory_space<vmem>> -> memref<100x48xf32, #tpu.memory_space<vmem>>
      %dma_start3A_388 = arith.constant 0 : i32
      %dma_start3A_389 = tpu.memref_slice %arg8[%add3A_381, %dma_start3A_388] : memref<100x100xi32, #tpu.memory_space<vmem>> -> memref<1x100xi32, #tpu.memory_space<vmem>>
      %dma_start3A_390 = tpu.memref_squeeze %dma_start3A_389 : memref<1x100xi32, #tpu.memory_space<vmem>> -> memref<100xi32, #tpu.memory_space<vmem>>
      %dma_start3A_391 = arith.constant 0 : i32
      %dma_start3A_392 = arith.constant 0 : i32
      %dma_start3A_393 = tpu.memref_slice %arg10[%dma_start3A_391, %dma_start3A_392] : memref<10000x48xf32, #tpu.memory_space<vmem_shared>> -> memref<10000x48xf32, #tpu.memory_space<vmem_shared>>
      %dma_start3A_394 = tpu.memref_slice %arg12[%dma_start3A_383] : memref<10x!tpu.dma_semaphore, #tpu.memory_space<semaphore_mem>> -> memref<1x!tpu.dma_semaphore, #tpu.memory_space<semaphore_mem>>
      %dma_start3A_395 = tpu.memref_squeeze %dma_start3A_394 : memref<1x!tpu.dma_semaphore, #tpu.memory_space<semaphore_mem>> -> memref<!tpu.dma_semaphore, #tpu.memory_space<semaphore_mem>>
      tpu.enqueue_indirect_dma source(%dma_start3A_387 : memref<100x48xf32, #tpu.memory_space<vmem>>) target(%dma_start3A_393 : memref<10000x48xf32, #tpu.memory_space<vmem_shared>>) offsets(%dma_start3A_390 : memref<100xi32, #tpu.memory_space<vmem>>) semaphore(%dma_start3A_395 : memref<!tpu.dma_semaphore, #tpu.memory_space<semaphore_mem>>) {add = true}
      %add3A_396 = arith.constant 7 : i32
      %add3A_397 = arith.addi %mul3A_13, %add3A_396 : i32
      %dma_wait3A_398 = arith.constant 7 : i32
      %dma_wait3A_399 = arith.constant 7 : i32
      %dma_wait3A_400 = arith.constant 0 : i32
      %dma_wait3A_401 = arith.constant 0 : i32
      %dma_wait3A_402 = tpu.memref_slice %arg9[%dma_wait3A_398, %dma_wait3A_400, %dma_wait3A_401] : memref<10x100x48xf32, #tpu.memory_space<vmem>> -> memref<1x100x48xf32, #tpu.memory_space<vmem>>
      %dma_wait3A_403 = tpu.memref_squeeze %dma_wait3A_402 : memref<1x100x48xf32, #tpu.memory_space<vmem>> -> memref<100x48xf32, #tpu.memory_space<vmem>>
      %dma_wait3A_404 = arith.constant 0 : i32
      %dma_wait3A_405 = tpu.memref_slice %arg7[%add3A_397, %dma_wait3A_404] : memref<100x100xi32, #tpu.memory_space<vmem>> -> memref<1x100xi32, #tpu.memory_space<vmem>>
      %dma_wait3A_406 = tpu.memref_squeeze %dma_wait3A_405 : memref<1x100xi32, #tpu.memory_space<vmem>> -> memref<100xi32, #tpu.memory_space<vmem>>
      %dma_wait3A_407 = arith.constant 0 : i32
      %dma_wait3A_408 = arith.constant 0 : i32
      %dma_wait3A_409 = tpu.memref_slice %arg2[%dma_wait3A_407, %dma_wait3A_408] : memref<10000x48xf32, #tpu.memory_space<hbm>> -> memref<10000x48xf32, #tpu.memory_space<hbm>>
      %dma_wait3A_410 = tpu.memref_slice %arg11[%dma_wait3A_399] : memref<10x!tpu.dma_semaphore, #tpu.memory_space<semaphore_mem>> -> memref<1x!tpu.dma_semaphore, #tpu.memory_space<semaphore_mem>>
      %dma_wait3A_411 = tpu.memref_squeeze %dma_wait3A_410 : memref<1x!tpu.dma_semaphore, #tpu.memory_space<semaphore_mem>> -> memref<!tpu.dma_semaphore, #tpu.memory_space<semaphore_mem>>
      tpu.wait_indirect_dma semaphore(%dma_wait3A_411 : memref<!tpu.dma_semaphore, #tpu.memory_space<semaphore_mem>>) src(%dma_wait3A_409 : memref<10000x48xf32, #tpu.memory_space<hbm>>) dst(%dma_wait3A_403 : memref<100x48xf32, #tpu.memory_space<vmem>>)
      %add3A_412 = arith.constant 7 : i32
      %add3A_413 = arith.addi %mul3A_13, %add3A_412 : i32
      %dma_start3A_414 = arith.constant 7 : i32
      %dma_start3A_415 = arith.constant 7 : i32
      %dma_start3A_416 = arith.constant 0 : i32
      %dma_start3A_417 = arith.constant 0 : i32
      %dma_start3A_418 = tpu.memref_slice %arg9[%dma_start3A_414, %dma_start3A_416, %dma_start3A_417] : memref<10x100x48xf32, #tpu.memory_space<vmem>> -> memref<1x100x48xf32, #tpu.memory_space<vmem>>
      %dma_start3A_419 = tpu.memref_squeeze %dma_start3A_418 : memref<1x100x48xf32, #tpu.memory_space<vmem>> -> memref<100x48xf32, #tpu.memory_space<vmem>>
      %dma_start3A_420 = arith.constant 0 : i32
      %dma_start3A_421 = tpu.memref_slice %arg8[%add3A_413, %dma_start3A_420] : memref<100x100xi32, #tpu.memory_space<vmem>> -> memref<1x100xi32, #tpu.memory_space<vmem>>
      %dma_start3A_422 = tpu.memref_squeeze %dma_start3A_421 : memref<1x100xi32, #tpu.memory_space<vmem>> -> memref<100xi32, #tpu.memory_space<vmem>>
      %dma_start3A_423 = arith.constant 0 : i32
      %dma_start3A_424 = arith.constant 0 : i32
      %dma_start3A_425 = tpu.memref_slice %arg10[%dma_start3A_423, %dma_start3A_424] : memref<10000x48xf32, #tpu.memory_space<vmem_shared>> -> memref<10000x48xf32, #tpu.memory_space<vmem_shared>>
      %dma_start3A_426 = tpu.memref_slice %arg12[%dma_start3A_415] : memref<10x!tpu.dma_semaphore, #tpu.memory_space<semaphore_mem>> -> memref<1x!tpu.dma_semaphore, #tpu.memory_space<semaphore_mem>>
      %dma_start3A_427 = tpu.memref_squeeze %dma_start3A_426 : memref<1x!tpu.dma_semaphore, #tpu.memory_space<semaphore_mem>> -> memref<!tpu.dma_semaphore, #tpu.memory_space<semaphore_mem>>
      tpu.enqueue_indirect_dma source(%dma_start3A_419 : memref<100x48xf32, #tpu.memory_space<vmem>>) target(%dma_start3A_425 : memref<10000x48xf32, #tpu.memory_space<vmem_shared>>) offsets(%dma_start3A_422 : memref<100xi32, #tpu.memory_space<vmem>>) semaphore(%dma_start3A_427 : memref<!tpu.dma_semaphore, #tpu.memory_space<semaphore_mem>>) {add = true}
      %add3A_428 = arith.constant 8 : i32
      %add3A_429 = arith.addi %mul3A_13, %add3A_428 : i32
      %dma_wait3A_430 = arith.constant 8 : i32
      %dma_wait3A_431 = arith.constant 8 : i32
      %dma_wait3A_432 = arith.constant 0 : i32
      %dma_wait3A_433 = arith.constant 0 : i32
      %dma_wait3A_434 = tpu.memref_slice %arg9[%dma_wait3A_430, %dma_wait3A_432, %dma_wait3A_433] : memref<10x100x48xf32, #tpu.memory_space<vmem>> -> memref<1x100x48xf32, #tpu.memory_space<vmem>>
      %dma_wait3A_435 = tpu.memref_squeeze %dma_wait3A_434 : memref<1x100x48xf32, #tpu.memory_space<vmem>> -> memref<100x48xf32, #tpu.memory_space<vmem>>
      %dma_wait3A_436 = arith.constant 0 : i32
      %dma_wait3A_437 = tpu.memref_slice %arg7[%add3A_429, %dma_wait3A_436] : memref<100x100xi32, #tpu.memory_space<vmem>> -> memref<1x100xi32, #tpu.memory_space<vmem>>
      %dma_wait3A_438 = tpu.memref_squeeze %dma_wait3A_437 : memref<1x100xi32, #tpu.memory_space<vmem>> -> memref<100xi32, #tpu.memory_space<vmem>>
      %dma_wait3A_439 = arith.constant 0 : i32
      %dma_wait3A_440 = arith.constant 0 : i32
      %dma_wait3A_441 = tpu.memref_slice %arg2[%dma_wait3A_439, %dma_wait3A_440] : memref<10000x48xf32, #tpu.memory_space<hbm>> -> memref<10000x48xf32, #tpu.memory_space<hbm>>
      %dma_wait3A_442 = tpu.memref_slice %arg11[%dma_wait3A_431] : memref<10x!tpu.dma_semaphore, #tpu.memory_space<semaphore_mem>> -> memref<1x!tpu.dma_semaphore, #tpu.memory_space<semaphore_mem>>
      %dma_wait3A_443 = tpu.memref_squeeze %dma_wait3A_442 : memref<1x!tpu.dma_semaphore, #tpu.memory_space<semaphore_mem>> -> memref<!tpu.dma_semaphore, #tpu.memory_space<semaphore_mem>>
      tpu.wait_indirect_dma semaphore(%dma_wait3A_443 : memref<!tpu.dma_semaphore, #tpu.memory_space<semaphore_mem>>) src(%dma_wait3A_441 : memref<10000x48xf32, #tpu.memory_space<hbm>>) dst(%dma_wait3A_435 : memref<100x48xf32, #tpu.memory_space<vmem>>)
      %add3A_444 = arith.constant 8 : i32
      %add3A_445 = arith.addi %mul3A_13, %add3A_444 : i32
      %dma_start3A_446 = arith.constant 8 : i32
      %dma_start3A_447 = arith.constant 8 : i32
      %dma_start3A_448 = arith.constant 0 : i32
      %dma_start3A_449 = arith.constant 0 : i32
      %dma_start3A_450 = tpu.memref_slice %arg9[%dma_start3A_446, %dma_start3A_448, %dma_start3A_449] : memref<10x100x48xf32, #tpu.memory_space<vmem>> -> memref<1x100x48xf32, #tpu.memory_space<vmem>>
      %dma_start3A_451 = tpu.memref_squeeze %dma_start3A_450 : memref<1x100x48xf32, #tpu.memory_space<vmem>> -> memref<100x48xf32, #tpu.memory_space<vmem>>
      %dma_start3A_452 = arith.constant 0 : i32
      %dma_start3A_453 = tpu.memref_slice %arg8[%add3A_445, %dma_start3A_452] : memref<100x100xi32, #tpu.memory_space<vmem>> -> memref<1x100xi32, #tpu.memory_space<vmem>>
      %dma_start3A_454 = tpu.memref_squeeze %dma_start3A_453 : memref<1x100xi32, #tpu.memory_space<vmem>> -> memref<100xi32, #tpu.memory_space<vmem>>
      %dma_start3A_455 = arith.constant 0 : i32
      %dma_start3A_456 = arith.constant 0 : i32
      %dma_start3A_457 = tpu.memref_slice %arg10[%dma_start3A_455, %dma_start3A_456] : memref<10000x48xf32, #tpu.memory_space<vmem_shared>> -> memref<10000x48xf32, #tpu.memory_space<vmem_shared>>
      %dma_start3A_458 = tpu.memref_slice %arg12[%dma_start3A_447] : memref<10x!tpu.dma_semaphore, #tpu.memory_space<semaphore_mem>> -> memref<1x!tpu.dma_semaphore, #tpu.memory_space<semaphore_mem>>
      %dma_start3A_459 = tpu.memref_squeeze %dma_start3A_458 : memref<1x!tpu.dma_semaphore, #tpu.memory_space<semaphore_mem>> -> memref<!tpu.dma_semaphore, #tpu.memory_space<semaphore_mem>>
      tpu.enqueue_indirect_dma source(%dma_start3A_451 : memref<100x48xf32, #tpu.memory_space<vmem>>) target(%dma_start3A_457 : memref<10000x48xf32, #tpu.memory_space<vmem_shared>>) offsets(%dma_start3A_454 : memref<100xi32, #tpu.memory_space<vmem>>) semaphore(%dma_start3A_459 : memref<!tpu.dma_semaphore, #tpu.memory_space<semaphore_mem>>) {add = true}
      %add3A_460 = arith.constant 9 : i32
      %add3A_461 = arith.addi %mul3A_13, %add3A_460 : i32
      %dma_wait3A_462 = arith.constant 9 : i32
      %dma_wait3A_463 = arith.constant 9 : i32
      %dma_wait3A_464 = arith.constant 0 : i32
      %dma_wait3A_465 = arith.constant 0 : i32
      %dma_wait3A_466 = tpu.memref_slice %arg9[%dma_wait3A_462, %dma_wait3A_464, %dma_wait3A_465] : memref<10x100x48xf32, #tpu.memory_space<vmem>> -> memref<1x100x48xf32, #tpu.memory_space<vmem>>
      %dma_wait3A_467 = tpu.memref_squeeze %dma_wait3A_466 : memref<1x100x48xf32, #tpu.memory_space<vmem>> -> memref<100x48xf32, #tpu.memory_space<vmem>>
      %dma_wait3A_468 = arith.constant 0 : i32
      %dma_wait3A_469 = tpu.memref_slice %arg7[%add3A_461, %dma_wait3A_468] : memref<100x100xi32, #tpu.memory_space<vmem>> -> memref<1x100xi32, #tpu.memory_space<vmem>>
      %dma_wait3A_470 = tpu.memref_squeeze %dma_wait3A_469 : memref<1x100xi32, #tpu.memory_space<vmem>> -> memref<100xi32, #tpu.memory_space<vmem>>
      %dma_wait3A_471 = arith.constant 0 : i32
      %dma_wait3A_472 = arith.constant 0 : i32
      %dma_wait3A_473 = tpu.memref_slice %arg2[%dma_wait3A_471, %dma_wait3A_472] : memref<10000x48xf32, #tpu.memory_space<hbm>> -> memref<10000x48xf32, #tpu.memory_space<hbm>>
      %dma_wait3A_474 = tpu.memref_slice %arg11[%dma_wait3A_463] : memref<10x!tpu.dma_semaphore, #tpu.memory_space<semaphore_mem>> -> memref<1x!tpu.dma_semaphore, #tpu.memory_space<semaphore_mem>>
      %dma_wait3A_475 = tpu.memref_squeeze %dma_wait3A_474 : memref<1x!tpu.dma_semaphore, #tpu.memory_space<semaphore_mem>> -> memref<!tpu.dma_semaphore, #tpu.memory_space<semaphore_mem>>
      tpu.wait_indirect_dma semaphore(%dma_wait3A_475 : memref<!tpu.dma_semaphore, #tpu.memory_space<semaphore_mem>>) src(%dma_wait3A_473 : memref<10000x48xf32, #tpu.memory_space<hbm>>) dst(%dma_wait3A_467 : memref<100x48xf32, #tpu.memory_space<vmem>>)
      %add3A_476 = arith.constant 9 : i32
      %add3A_477 = arith.addi %mul3A_13, %add3A_476 : i32
      %dma_start3A_478 = arith.constant 9 : i32
      %dma_start3A_479 = arith.constant 9 : i32
      %dma_start3A_480 = arith.constant 0 : i32
      %dma_start3A_481 = arith.constant 0 : i32
      %dma_start3A_482 = tpu.memref_slice %arg9[%dma_start3A_478, %dma_start3A_480, %dma_start3A_481] : memref<10x100x48xf32, #tpu.memory_space<vmem>> -> memref<1x100x48xf32, #tpu.memory_space<vmem>>
      %dma_start3A_483 = tpu.memref_squeeze %dma_start3A_482 : memref<1x100x48xf32, #tpu.memory_space<vmem>> -> memref<100x48xf32, #tpu.memory_space<vmem>>
      %dma_start3A_484 = arith.constant 0 : i32
      %dma_start3A_485 = tpu.memref_slice %arg8[%add3A_477, %dma_start3A_484] : memref<100x100xi32, #tpu.memory_space<vmem>> -> memref<1x100xi32, #tpu.memory_space<vmem>>
      %dma_start3A_486 = tpu.memref_squeeze %dma_start3A_485 : memref<1x100xi32, #tpu.memory_space<vmem>> -> memref<100xi32, #tpu.memory_space<vmem>>
      %dma_start3A_487 = arith.constant 0 : i32
      %dma_start3A_488 = arith.constant 0 : i32
      %dma_start3A_489 = tpu.memref_slice %arg10[%dma_start3A_487, %dma_start3A_488] : memref<10000x48xf32, #tpu.memory_space<vmem_shared>> -> memref<10000x48xf32, #tpu.memory_space<vmem_shared>>
      %dma_start3A_490 = tpu.memref_slice %arg12[%dma_start3A_479] : memref<10x!tpu.dma_semaphore, #tpu.memory_space<semaphore_mem>> -> memref<1x!tpu.dma_semaphore, #tpu.memory_space<semaphore_mem>>
      %dma_start3A_491 = tpu.memref_squeeze %dma_start3A_490 : memref<1x!tpu.dma_semaphore, #tpu.memory_space<semaphore_mem>> -> memref<!tpu.dma_semaphore, #tpu.memory_space<semaphore_mem>>
      tpu.enqueue_indirect_dma source(%dma_start3A_483 : memref<100x48xf32, #tpu.memory_space<vmem>>) target(%dma_start3A_489 : memref<10000x48xf32, #tpu.memory_space<vmem_shared>>) offsets(%dma_start3A_486 : memref<100xi32, #tpu.memory_space<vmem>>) semaphore(%dma_start3A_491 : memref<!tpu.dma_semaphore, #tpu.memory_space<semaphore_mem>>) {add = true}
      %add3A_492 = arith.constant 0 : i32
      %add3A_493 = arith.addi %mul3A_13, %add3A_492 : i32
      %dma_wait3A_494 = arith.constant 0 : i32
      %dma_wait3A_495 = arith.constant 0 : i32
      %dma_wait3A_496 = arith.constant 0 : i32
      %dma_wait3A_497 = arith.constant 0 : i32
      %dma_wait3A_498 = tpu.memref_slice %arg9[%dma_wait3A_494, %dma_wait3A_496, %dma_wait3A_497] : memref<10x100x48xf32, #tpu.memory_space<vmem>> -> memref<1x100x48xf32, #tpu.memory_space<vmem>>
      %dma_wait3A_499 = tpu.memref_squeeze %dma_wait3A_498 : memref<1x100x48xf32, #tpu.memory_space<vmem>> -> memref<100x48xf32, #tpu.memory_space<vmem>>
      %dma_wait3A_500 = arith.constant 0 : i32
      %dma_wait3A_501 = tpu.memref_slice %arg8[%add3A_493, %dma_wait3A_500] : memref<100x100xi32, #tpu.memory_space<vmem>> -> memref<1x100xi32, #tpu.memory_space<vmem>>
      %dma_wait3A_502 = tpu.memref_squeeze %dma_wait3A_501 : memref<1x100xi32, #tpu.memory_space<vmem>> -> memref<100xi32, #tpu.memory_space<vmem>>
      %dma_wait3A_503 = arith.constant 0 : i32
      %dma_wait3A_504 = arith.constant 0 : i32
      %dma_wait3A_505 = tpu.memref_slice %arg10[%dma_wait3A_503, %dma_wait3A_504] : memref<10000x48xf32, #tpu.memory_space<vmem_shared>> -> memref<10000x48xf32, #tpu.memory_space<vmem_shared>>
      %dma_wait3A_506 = tpu.memref_slice %arg12[%dma_wait3A_495] : memref<10x!tpu.dma_semaphore, #tpu.memory_space<semaphore_mem>> -> memref<1x!tpu.dma_semaphore, #tpu.memory_space<semaphore_mem>>
      %dma_wait3A_507 = tpu.memref_squeeze %dma_wait3A_506 : memref<1x!tpu.dma_semaphore, #tpu.memory_space<semaphore_mem>> -> memref<!tpu.dma_semaphore, #tpu.memory_space<semaphore_mem>>
      tpu.wait_indirect_dma semaphore(%dma_wait3A_507 : memref<!tpu.dma_semaphore, #tpu.memory_space<semaphore_mem>>) src(%dma_wait3A_499 : memref<100x48xf32, #tpu.memory_space<vmem>>) dst(%dma_wait3A_505 : memref<10000x48xf32, #tpu.memory_space<vmem_shared>>)
      %add3A_508 = arith.constant 1 : i32
      %add3A_509 = arith.addi %mul3A_13, %add3A_508 : i32
      %dma_wait3A_510 = arith.constant 1 : i32
      %dma_wait3A_511 = arith.constant 1 : i32
      %dma_wait3A_512 = arith.constant 0 : i32
      %dma_wait3A_513 = arith.constant 0 : i32
      %dma_wait3A_514 = tpu.memref_slice %arg9[%dma_wait3A_510, %dma_wait3A_512, %dma_wait3A_513] : memref<10x100x48xf32, #tpu.memory_space<vmem>> -> memref<1x100x48xf32, #tpu.memory_space<vmem>>
      %dma_wait3A_515 = tpu.memref_squeeze %dma_wait3A_514 : memref<1x100x48xf32, #tpu.memory_space<vmem>> -> memref<100x48xf32, #tpu.memory_space<vmem>>
      %dma_wait3A_516 = arith.constant 0 : i32
      %dma_wait3A_517 = tpu.memref_slice %arg8[%add3A_509, %dma_wait3A_516] : memref<100x100xi32, #tpu.memory_space<vmem>> -> memref<1x100xi32, #tpu.memory_space<vmem>>
      %dma_wait3A_518 = tpu.memref_squeeze %dma_wait3A_517 : memref<1x100xi32, #tpu.memory_space<vmem>> -> memref<100xi32, #tpu.memory_space<vmem>>
      %dma_wait3A_519 = arith.constant 0 : i32
      %dma_wait3A_520 = arith.constant 0 : i32
      %dma_wait3A_521 = tpu.memref_slice %arg10[%dma_wait3A_519, %dma_wait3A_520] : memref<10000x48xf32, #tpu.memory_space<vmem_shared>> -> memref<10000x48xf32, #tpu.memory_space<vmem_shared>>
      %dma_wait3A_522 = tpu.memref_slice %arg12[%dma_wait3A_511] : memref<10x!tpu.dma_semaphore, #tpu.memory_space<semaphore_mem>> -> memref<1x!tpu.dma_semaphore, #tpu.memory_space<semaphore_mem>>
      %dma_wait3A_523 = tpu.memref_squeeze %dma_wait3A_522 : memref<1x!tpu.dma_semaphore, #tpu.memory_space<semaphore_mem>> -> memref<!tpu.dma_semaphore, #tpu.memory_space<semaphore_mem>>
      tpu.wait_indirect_dma semaphore(%dma_wait3A_523 : memref<!tpu.dma_semaphore, #tpu.memory_space<semaphore_mem>>) src(%dma_wait3A_515 : memref<100x48xf32, #tpu.memory_space<vmem>>) dst(%dma_wait3A_521 : memref<10000x48xf32, #tpu.memory_space<vmem_shared>>)
      %add3A_524 = arith.constant 2 : i32
      %add3A_525 = arith.addi %mul3A_13, %add3A_524 : i32
      %dma_wait3A_526 = arith.constant 2 : i32
      %dma_wait3A_527 = arith.constant 2 : i32
      %dma_wait3A_528 = arith.constant 0 : i32
      %dma_wait3A_529 = arith.constant 0 : i32
      %dma_wait3A_530 = tpu.memref_slice %arg9[%dma_wait3A_526, %dma_wait3A_528, %dma_wait3A_529] : memref<10x100x48xf32, #tpu.memory_space<vmem>> -> memref<1x100x48xf32, #tpu.memory_space<vmem>>
      %dma_wait3A_531 = tpu.memref_squeeze %dma_wait3A_530 : memref<1x100x48xf32, #tpu.memory_space<vmem>> -> memref<100x48xf32, #tpu.memory_space<vmem>>
      %dma_wait3A_532 = arith.constant 0 : i32
      %dma_wait3A_533 = tpu.memref_slice %arg8[%add3A_525, %dma_wait3A_532] : memref<100x100xi32, #tpu.memory_space<vmem>> -> memref<1x100xi32, #tpu.memory_space<vmem>>
      %dma_wait3A_534 = tpu.memref_squeeze %dma_wait3A_533 : memref<1x100xi32, #tpu.memory_space<vmem>> -> memref<100xi32, #tpu.memory_space<vmem>>
      %dma_wait3A_535 = arith.constant 0 : i32
      %dma_wait3A_536 = arith.constant 0 : i32
      %dma_wait3A_537 = tpu.memref_slice %arg10[%dma_wait3A_535, %dma_wait3A_536] : memref<10000x48xf32, #tpu.memory_space<vmem_shared>> -> memref<10000x48xf32, #tpu.memory_space<vmem_shared>>
      %dma_wait3A_538 = tpu.memref_slice %arg12[%dma_wait3A_527] : memref<10x!tpu.dma_semaphore, #tpu.memory_space<semaphore_mem>> -> memref<1x!tpu.dma_semaphore, #tpu.memory_space<semaphore_mem>>
      %dma_wait3A_539 = tpu.memref_squeeze %dma_wait3A_538 : memref<1x!tpu.dma_semaphore, #tpu.memory_space<semaphore_mem>> -> memref<!tpu.dma_semaphore, #tpu.memory_space<semaphore_mem>>
      tpu.wait_indirect_dma semaphore(%dma_wait3A_539 : memref<!tpu.dma_semaphore, #tpu.memory_space<semaphore_mem>>) src(%dma_wait3A_531 : memref<100x48xf32, #tpu.memory_space<vmem>>) dst(%dma_wait3A_537 : memref<10000x48xf32, #tpu.memory_space<vmem_shared>>)
      %add3A_540 = arith.constant 3 : i32
      %add3A_541 = arith.addi %mul3A_13, %add3A_540 : i32
      %dma_wait3A_542 = arith.constant 3 : i32
      %dma_wait3A_543 = arith.constant 3 : i32
      %dma_wait3A_544 = arith.constant 0 : i32
      %dma_wait3A_545 = arith.constant 0 : i32
      %dma_wait3A_546 = tpu.memref_slice %arg9[%dma_wait3A_542, %dma_wait3A_544, %dma_wait3A_545] : memref<10x100x48xf32, #tpu.memory_space<vmem>> -> memref<1x100x48xf32, #tpu.memory_space<vmem>>
      %dma_wait3A_547 = tpu.memref_squeeze %dma_wait3A_546 : memref<1x100x48xf32, #tpu.memory_space<vmem>> -> memref<100x48xf32, #tpu.memory_space<vmem>>
      %dma_wait3A_548 = arith.constant 0 : i32
      %dma_wait3A_549 = tpu.memref_slice %arg8[%add3A_541, %dma_wait3A_548] : memref<100x100xi32, #tpu.memory_space<vmem>> -> memref<1x100xi32, #tpu.memory_space<vmem>>
      %dma_wait3A_550 = tpu.memref_squeeze %dma_wait3A_549 : memref<1x100xi32, #tpu.memory_space<vmem>> -> memref<100xi32, #tpu.memory_space<vmem>>
      %dma_wait3A_551 = arith.constant 0 : i32
      %dma_wait3A_552 = arith.constant 0 : i32
      %dma_wait3A_553 = tpu.memref_slice %arg10[%dma_wait3A_551, %dma_wait3A_552] : memref<10000x48xf32, #tpu.memory_space<vmem_shared>> -> memref<10000x48xf32, #tpu.memory_space<vmem_shared>>
      %dma_wait3A_554 = tpu.memref_slice %arg12[%dma_wait3A_543] : memref<10x!tpu.dma_semaphore, #tpu.memory_space<semaphore_mem>> -> memref<1x!tpu.dma_semaphore, #tpu.memory_space<semaphore_mem>>
      %dma_wait3A_555 = tpu.memref_squeeze %dma_wait3A_554 : memref<1x!tpu.dma_semaphore, #tpu.memory_space<semaphore_mem>> -> memref<!tpu.dma_semaphore, #tpu.memory_space<semaphore_mem>>
      tpu.wait_indirect_dma semaphore(%dma_wait3A_555 : memref<!tpu.dma_semaphore, #tpu.memory_space<semaphore_mem>>) src(%dma_wait3A_547 : memref<100x48xf32, #tpu.memory_space<vmem>>) dst(%dma_wait3A_553 : memref<10000x48xf32, #tpu.memory_space<vmem_shared>>)
      %add3A_556 = arith.constant 4 : i32
      %add3A_557 = arith.addi %mul3A_13, %add3A_556 : i32
      %dma_wait3A_558 = arith.constant 4 : i32
      %dma_wait3A_559 = arith.constant 4 : i32
      %dma_wait3A_560 = arith.constant 0 : i32
      %dma_wait3A_561 = arith.constant 0 : i32
      %dma_wait3A_562 = tpu.memref_slice %arg9[%dma_wait3A_558, %dma_wait3A_560, %dma_wait3A_561] : memref<10x100x48xf32, #tpu.memory_space<vmem>> -> memref<1x100x48xf32, #tpu.memory_space<vmem>>
      %dma_wait3A_563 = tpu.memref_squeeze %dma_wait3A_562 : memref<1x100x48xf32, #tpu.memory_space<vmem>> -> memref<100x48xf32, #tpu.memory_space<vmem>>
      %dma_wait3A_564 = arith.constant 0 : i32
      %dma_wait3A_565 = tpu.memref_slice %arg8[%add3A_557, %dma_wait3A_564] : memref<100x100xi32, #tpu.memory_space<vmem>> -> memref<1x100xi32, #tpu.memory_space<vmem>>
      %dma_wait3A_566 = tpu.memref_squeeze %dma_wait3A_565 : memref<1x100xi32, #tpu.memory_space<vmem>> -> memref<100xi32, #tpu.memory_space<vmem>>
      %dma_wait3A_567 = arith.constant 0 : i32
      %dma_wait3A_568 = arith.constant 0 : i32
      %dma_wait3A_569 = tpu.memref_slice %arg10[%dma_wait3A_567, %dma_wait3A_568] : memref<10000x48xf32, #tpu.memory_space<vmem_shared>> -> memref<10000x48xf32, #tpu.memory_space<vmem_shared>>
      %dma_wait3A_570 = tpu.memref_slice %arg12[%dma_wait3A_559] : memref<10x!tpu.dma_semaphore, #tpu.memory_space<semaphore_mem>> -> memref<1x!tpu.dma_semaphore, #tpu.memory_space<semaphore_mem>>
      %dma_wait3A_571 = tpu.memref_squeeze %dma_wait3A_570 : memref<1x!tpu.dma_semaphore, #tpu.memory_space<semaphore_mem>> -> memref<!tpu.dma_semaphore, #tpu.memory_space<semaphore_mem>>
      tpu.wait_indirect_dma semaphore(%dma_wait3A_571 : memref<!tpu.dma_semaphore, #tpu.memory_space<semaphore_mem>>) src(%dma_wait3A_563 : memref<100x48xf32, #tpu.memory_space<vmem>>) dst(%dma_wait3A_569 : memref<10000x48xf32, #tpu.memory_space<vmem_shared>>)
      %add3A_572 = arith.constant 5 : i32
      %add3A_573 = arith.addi %mul3A_13, %add3A_572 : i32
      %dma_wait3A_574 = arith.constant 5 : i32
      %dma_wait3A_575 = arith.constant 5 : i32
      %dma_wait3A_576 = arith.constant 0 : i32
      %dma_wait3A_577 = arith.constant 0 : i32
      %dma_wait3A_578 = tpu.memref_slice %arg9[%dma_wait3A_574, %dma_wait3A_576, %dma_wait3A_577] : memref<10x100x48xf32, #tpu.memory_space<vmem>> -> memref<1x100x48xf32, #tpu.memory_space<vmem>>
      %dma_wait3A_579 = tpu.memref_squeeze %dma_wait3A_578 : memref<1x100x48xf32, #tpu.memory_space<vmem>> -> memref<100x48xf32, #tpu.memory_space<vmem>>
      %dma_wait3A_580 = arith.constant 0 : i32
      %dma_wait3A_581 = tpu.memref_slice %arg8[%add3A_573, %dma_wait3A_580] : memref<100x100xi32, #tpu.memory_space<vmem>> -> memref<1x100xi32, #tpu.memory_space<vmem>>
      %dma_wait3A_582 = tpu.memref_squeeze %dma_wait3A_581 : memref<1x100xi32, #tpu.memory_space<vmem>> -> memref<100xi32, #tpu.memory_space<vmem>>
      %dma_wait3A_583 = arith.constant 0 : i32
      %dma_wait3A_584 = arith.constant 0 : i32
      %dma_wait3A_585 = tpu.memref_slice %arg10[%dma_wait3A_583, %dma_wait3A_584] : memref<10000x48xf32, #tpu.memory_space<vmem_shared>> -> memref<10000x48xf32, #tpu.memory_space<vmem_shared>>
      %dma_wait3A_586 = tpu.memref_slice %arg12[%dma_wait3A_575] : memref<10x!tpu.dma_semaphore, #tpu.memory_space<semaphore_mem>> -> memref<1x!tpu.dma_semaphore, #tpu.memory_space<semaphore_mem>>
      %dma_wait3A_587 = tpu.memref_squeeze %dma_wait3A_586 : memref<1x!tpu.dma_semaphore, #tpu.memory_space<semaphore_mem>> -> memref<!tpu.dma_semaphore, #tpu.memory_space<semaphore_mem>>
      tpu.wait_indirect_dma semaphore(%dma_wait3A_587 : memref<!tpu.dma_semaphore, #tpu.memory_space<semaphore_mem>>) src(%dma_wait3A_579 : memref<100x48xf32, #tpu.memory_space<vmem>>) dst(%dma_wait3A_585 : memref<10000x48xf32, #tpu.memory_space<vmem_shared>>)
      %add3A_588 = arith.constant 6 : i32
      %add3A_589 = arith.addi %mul3A_13, %add3A_588 : i32
      %dma_wait3A_590 = arith.constant 6 : i32
      %dma_wait3A_591 = arith.constant 6 : i32
      %dma_wait3A_592 = arith.constant 0 : i32
      %dma_wait3A_593 = arith.constant 0 : i32
      %dma_wait3A_594 = tpu.memref_slice %arg9[%dma_wait3A_590, %dma_wait3A_592, %dma_wait3A_593] : memref<10x100x48xf32, #tpu.memory_space<vmem>> -> memref<1x100x48xf32, #tpu.memory_space<vmem>>
      %dma_wait3A_595 = tpu.memref_squeeze %dma_wait3A_594 : memref<1x100x48xf32, #tpu.memory_space<vmem>> -> memref<100x48xf32, #tpu.memory_space<vmem>>
      %dma_wait3A_596 = arith.constant 0 : i32
      %dma_wait3A_597 = tpu.memref_slice %arg8[%add3A_589, %dma_wait3A_596] : memref<100x100xi32, #tpu.memory_space<vmem>> -> memref<1x100xi32, #tpu.memory_space<vmem>>
      %dma_wait3A_598 = tpu.memref_squeeze %dma_wait3A_597 : memref<1x100xi32, #tpu.memory_space<vmem>> -> memref<100xi32, #tpu.memory_space<vmem>>
      %dma_wait3A_599 = arith.constant 0 : i32
      %dma_wait3A_600 = arith.constant 0 : i32
      %dma_wait3A_601 = tpu.memref_slice %arg10[%dma_wait3A_599, %dma_wait3A_600] : memref<10000x48xf32, #tpu.memory_space<vmem_shared>> -> memref<10000x48xf32, #tpu.memory_space<vmem_shared>>
      %dma_wait3A_602 = tpu.memref_slice %arg12[%dma_wait3A_591] : memref<10x!tpu.dma_semaphore, #tpu.memory_space<semaphore_mem>> -> memref<1x!tpu.dma_semaphore, #tpu.memory_space<semaphore_mem>>
      %dma_wait3A_603 = tpu.memref_squeeze %dma_wait3A_602 : memref<1x!tpu.dma_semaphore, #tpu.memory_space<semaphore_mem>> -> memref<!tpu.dma_semaphore, #tpu.memory_space<semaphore_mem>>
      tpu.wait_indirect_dma semaphore(%dma_wait3A_603 : memref<!tpu.dma_semaphore, #tpu.memory_space<semaphore_mem>>) src(%dma_wait3A_595 : memref<100x48xf32, #tpu.memory_space<vmem>>) dst(%dma_wait3A_601 : memref<10000x48xf32, #tpu.memory_space<vmem_shared>>)
      %add3A_604 = arith.constant 7 : i32
      %add3A_605 = arith.addi %mul3A_13, %add3A_604 : i32
      %dma_wait3A_606 = arith.constant 7 : i32
      %dma_wait3A_607 = arith.constant 7 : i32
      %dma_wait3A_608 = arith.constant 0 : i32
      %dma_wait3A_609 = arith.constant 0 : i32
      %dma_wait3A_610 = tpu.memref_slice %arg9[%dma_wait3A_606, %dma_wait3A_608, %dma_wait3A_609] : memref<10x100x48xf32, #tpu.memory_space<vmem>> -> memref<1x100x48xf32, #tpu.memory_space<vmem>>
      %dma_wait3A_611 = tpu.memref_squeeze %dma_wait3A_610 : memref<1x100x48xf32, #tpu.memory_space<vmem>> -> memref<100x48xf32, #tpu.memory_space<vmem>>
      %dma_wait3A_612 = arith.constant 0 : i32
      %dma_wait3A_613 = tpu.memref_slice %arg8[%add3A_605, %dma_wait3A_612] : memref<100x100xi32, #tpu.memory_space<vmem>> -> memref<1x100xi32, #tpu.memory_space<vmem>>
      %dma_wait3A_614 = tpu.memref_squeeze %dma_wait3A_613 : memref<1x100xi32, #tpu.memory_space<vmem>> -> memref<100xi32, #tpu.memory_space<vmem>>
      %dma_wait3A_615 = arith.constant 0 : i32
      %dma_wait3A_616 = arith.constant 0 : i32
      %dma_wait3A_617 = tpu.memref_slice %arg10[%dma_wait3A_615, %dma_wait3A_616] : memref<10000x48xf32, #tpu.memory_space<vmem_shared>> -> memref<10000x48xf32, #tpu.memory_space<vmem_shared>>
      %dma_wait3A_618 = tpu.memref_slice %arg12[%dma_wait3A_607] : memref<10x!tpu.dma_semaphore, #tpu.memory_space<semaphore_mem>> -> memref<1x!tpu.dma_semaphore, #tpu.memory_space<semaphore_mem>>
      %dma_wait3A_619 = tpu.memref_squeeze %dma_wait3A_618 : memref<1x!tpu.dma_semaphore, #tpu.memory_space<semaphore_mem>> -> memref<!tpu.dma_semaphore, #tpu.memory_space<semaphore_mem>>
      tpu.wait_indirect_dma semaphore(%dma_wait3A_619 : memref<!tpu.dma_semaphore, #tpu.memory_space<semaphore_mem>>) src(%dma_wait3A_611 : memref<100x48xf32, #tpu.memory_space<vmem>>) dst(%dma_wait3A_617 : memref<10000x48xf32, #tpu.memory_space<vmem_shared>>)
      %add3A_620 = arith.constant 8 : i32
      %add3A_621 = arith.addi %mul3A_13, %add3A_620 : i32
      %dma_wait3A_622 = arith.constant 8 : i32
      %dma_wait3A_623 = arith.constant 8 : i32
      %dma_wait3A_624 = arith.constant 0 : i32
      %dma_wait3A_625 = arith.constant 0 : i32
      %dma_wait3A_626 = tpu.memref_slice %arg9[%dma_wait3A_622, %dma_wait3A_624, %dma_wait3A_625] : memref<10x100x48xf32, #tpu.memory_space<vmem>> -> memref<1x100x48xf32, #tpu.memory_space<vmem>>
      %dma_wait3A_627 = tpu.memref_squeeze %dma_wait3A_626 : memref<1x100x48xf32, #tpu.memory_space<vmem>> -> memref<100x48xf32, #tpu.memory_space<vmem>>
      %dma_wait3A_628 = arith.constant 0 : i32
      %dma_wait3A_629 = tpu.memref_slice %arg8[%add3A_621, %dma_wait3A_628] : memref<100x100xi32, #tpu.memory_space<vmem>> -> memref<1x100xi32, #tpu.memory_space<vmem>>
      %dma_wait3A_630 = tpu.memref_squeeze %dma_wait3A_629 : memref<1x100xi32, #tpu.memory_space<vmem>> -> memref<100xi32, #tpu.memory_space<vmem>>
      %dma_wait3A_631 = arith.constant 0 : i32
      %dma_wait3A_632 = arith.constant 0 : i32
      %dma_wait3A_633 = tpu.memref_slice %arg10[%dma_wait3A_631, %dma_wait3A_632] : memref<10000x48xf32, #tpu.memory_space<vmem_shared>> -> memref<10000x48xf32, #tpu.memory_space<vmem_shared>>
      %dma_wait3A_634 = tpu.memref_slice %arg12[%dma_wait3A_623] : memref<10x!tpu.dma_semaphore, #tpu.memory_space<semaphore_mem>> -> memref<1x!tpu.dma_semaphore, #tpu.memory_space<semaphore_mem>>
      %dma_wait3A_635 = tpu.memref_squeeze %dma_wait3A_634 : memref<1x!tpu.dma_semaphore, #tpu.memory_space<semaphore_mem>> -> memref<!tpu.dma_semaphore, #tpu.memory_space<semaphore_mem>>
      tpu.wait_indirect_dma semaphore(%dma_wait3A_635 : memref<!tpu.dma_semaphore, #tpu.memory_space<semaphore_mem>>) src(%dma_wait3A_627 : memref<100x48xf32, #tpu.memory_space<vmem>>) dst(%dma_wait3A_633 : memref<10000x48xf32, #tpu.memory_space<vmem_shared>>)
      %add3A_636 = arith.constant 9 : i32
      %add3A_637 = arith.addi %mul3A_13, %add3A_636 : i32
      %dma_wait3A_638 = arith.constant 9 : i32
      %dma_wait3A_639 = arith.constant 9 : i32
      %dma_wait3A_640 = arith.constant 0 : i32
      %dma_wait3A_641 = arith.constant 0 : i32
      %dma_wait3A_642 = tpu.memref_slice %arg9[%dma_wait3A_638, %dma_wait3A_640, %dma_wait3A_641] : memref<10x100x48xf32, #tpu.memory_space<vmem>> -> memref<1x100x48xf32, #tpu.memory_space<vmem>>
      %dma_wait3A_643 = tpu.memref_squeeze %dma_wait3A_642 : memref<1x100x48xf32, #tpu.memory_space<vmem>> -> memref<100x48xf32, #tpu.memory_space<vmem>>
      %dma_wait3A_644 = arith.constant 0 : i32
      %dma_wait3A_645 = tpu.memref_slice %arg8[%add3A_637, %dma_wait3A_644] : memref<100x100xi32, #tpu.memory_space<vmem>> -> memref<1x100xi32, #tpu.memory_space<vmem>>
      %dma_wait3A_646 = tpu.memref_squeeze %dma_wait3A_645 : memref<1x100xi32, #tpu.memory_space<vmem>> -> memref<100xi32, #tpu.memory_space<vmem>>
      %dma_wait3A_647 = arith.constant 0 : i32
      %dma_wait3A_648 = arith.constant 0 : i32
      %dma_wait3A_649 = tpu.memref_slice %arg10[%dma_wait3A_647, %dma_wait3A_648] : memref<10000x48xf32, #tpu.memory_space<vmem_shared>> -> memref<10000x48xf32, #tpu.memory_space<vmem_shared>>
      %dma_wait3A_650 = tpu.memref_slice %arg12[%dma_wait3A_639] : memref<10x!tpu.dma_semaphore, #tpu.memory_space<semaphore_mem>> -> memref<1x!tpu.dma_semaphore, #tpu.memory_space<semaphore_mem>>
      %dma_wait3A_651 = tpu.memref_squeeze %dma_wait3A_650 : memref<1x!tpu.dma_semaphore, #tpu.memory_space<semaphore_mem>> -> memref<!tpu.dma_semaphore, #tpu.memory_space<semaphore_mem>>
      tpu.wait_indirect_dma semaphore(%dma_wait3A_651 : memref<!tpu.dma_semaphore, #tpu.memory_space<semaphore_mem>>) src(%dma_wait3A_643 : memref<100x48xf32, #tpu.memory_space<vmem>>) dst(%dma_wait3A_649 : memref<10000x48xf32, #tpu.memory_space<vmem_shared>>)
    }
    %scan3A_7 = arith.constant 10 : i32
    %barrier3A_8 = arith.constant 0 : index
    tpu.barrier barrier_id(%barrier3A_8)
    %mul3A_9 = arith.constant 625 : i32
    %mul3A_10 = arith.muli %arg1, %mul3A_9 : i32
    "tpu.region"() ({
      %run_scoped3A = tpu.sem_alloc : memref<!tpu.dma_semaphore, #tpu.memory_space<semaphore_mem>>
      %dma_start3A = arith.constant 0 : i32
      %dma_start3A_11 = arith.constant 0 : i32
      %dma_start3A_12 = tpu.memref_slice %arg6[%arg0, %arg1, %dma_start3A, %dma_start3A_11] : memref<2x16x625x48xf32, #tpu.memory_space<hbm>> -> memref<1x1x625x48xf32, #tpu.memory_space<hbm>>
      %dma_start3A_13 = tpu.memref_squeeze %dma_start3A_12 : memref<1x1x625x48xf32, #tpu.memory_space<hbm>> -> memref<625x48xf32, #tpu.memory_space<hbm>>
      %dma_start3A_14 = arith.constant 0 : i32
      %dma_start3A_15 = tpu.memref_slice %arg10[%mul3A_10, %dma_start3A_14] : memref<10000x48xf32, #tpu.memory_space<vmem_shared>> -> memref<625x48xf32, #tpu.memory_space<vmem_shared>>
      tpu.enqueue_dma source(%dma_start3A_15 : memref<625x48xf32, #tpu.memory_space<vmem_shared>>) target(%dma_start3A_13 : memref<625x48xf32, #tpu.memory_space<hbm>>) target_semaphore(%run_scoped3A : memref<!tpu.dma_semaphore, #tpu.memory_space<semaphore_mem>>)
      %dma_wait3A = arith.constant 0 : i32
      %dma_wait3A_16 = arith.constant 0 : i32
      %dma_wait3A_17 = tpu.memref_slice %arg6[%arg0, %arg1, %dma_wait3A, %dma_wait3A_16] : memref<2x16x625x48xf32, #tpu.memory_space<hbm>> -> memref<1x1x625x48xf32, #tpu.memory_space<hbm>>
      %dma_wait3A_18 = tpu.memref_squeeze %dma_wait3A_17 : memref<1x1x625x48xf32, #tpu.memory_space<hbm>> -> memref<625x48xf32, #tpu.memory_space<hbm>>
      %dma_wait3A_19 = arith.constant 0 : i32
      %dma_wait3A_20 = tpu.memref_slice %arg10[%mul3A_10, %dma_wait3A_19] : memref<10000x48xf32, #tpu.memory_space<vmem_shared>> -> memref<625x48xf32, #tpu.memory_space<vmem_shared>>
      tpu.wait_dma2 semaphore(%run_scoped3A : memref<!tpu.dma_semaphore, #tpu.memory_space<semaphore_mem>>) src(%dma_wait3A_20 : memref<625x48xf32, #tpu.memory_space<vmem_shared>>) dst(%dma_wait3A_18 : memref<625x48xf32, #tpu.memory_space<hbm>>)
      tpu.yield
    }) : () -> ()
    return
  }
}

module attributes {stable_mosaic.version = 14 : i64} {
  func.func @_stage_a2(%arg0: i32, %arg1: memref<2000x48xf32, #tpu.memory_space<vmem>>, %arg2: memref<2x48xf32, #tpu.memory_space<vmem>>, %arg3: memref<1x48xf32, #tpu.memory_space<vmem>>, %arg4: memref<1x48xf32, #tpu.memory_space<vmem>>, %arg5: memref<2000x48xf32, #tpu.memory_space<vmem>>) attributes {dimension_semantics = [#tpu.dimension_semantics<arbitrary>], iteration_bounds = array<i64: 5>, scalar_prefetch = 0 : i64, scratch_operands = 0 : i64, tpu.core_type = #tpu.core_type<tc>, window_params = [{transform_indices = @transform_0, window_bounds = array<i64: 2000, 48>}, {pipeline_mode = #tpu.pipeline_mode<synchronous>, transform_indices = @transform_1, window_bounds = array<i64: 2, 48>}, {pipeline_mode = #tpu.pipeline_mode<synchronous>, transform_indices = @transform_2, window_bounds = array<i64: 1, 48>}, {pipeline_mode = #tpu.pipeline_mode<synchronous>, transform_indices = @transform_3, window_bounds = array<i64: 1, 48>}, {transform_indices = @transform_4, window_bounds = array<i64: 2000, 48>}]} {
    %get3A = arith.constant 0 : index
    %get3A_0 = arith.constant 0 : index
    %get3A_1 = vector.load %arg1[%get3A, %get3A_0] : memref<2000x48xf32, #tpu.memory_space<vmem>>, vector<2000x48xf32>
    %slice3A = vector.extract_strided_slice %get3A_1 {offsets = [0, 32], sizes = [2000, 1], strides = [1, 1]} : vector<2000x48xf32> to vector<2000x1xf32>
    %gt3A = arith.constant 0.000000e+00 : f32
    %gt3A_2 = vector.broadcast %gt3A : f32 to vector<2000x1xf32>
    %gt3A_3 = arith.cmpf ogt, %slice3A, %gt3A_2 : vector<2000x1xf32>
    %convert_element_type3A = arith.extui %gt3A_3 : vector<2000x1xi1> to vector<2000x1xi32>
    %convert_element_type3A_4 = arith.sitofp %convert_element_type3A : vector<2000x1xi32> to vector<2000x1xf32>
    %get3A_5 = arith.constant 0 : index
    %get3A_6 = arith.constant 0 : index
    %get3A_7 = vector.load %arg2[%get3A_5, %get3A_6] : memref<2x48xf32, #tpu.memory_space<vmem>>, vector<2x48xf32>
    %get3A_8 = arith.constant 0 : index
    %get3A_9 = arith.constant 0 : index
    %get3A_10 = vector.load %arg3[%get3A_8, %get3A_9] : memref<1x48xf32, #tpu.memory_space<vmem>>, vector<1x48xf32>
    %get3A_11 = arith.constant 0 : index
    %get3A_12 = arith.constant 0 : index
    %get3A_13 = vector.load %arg4[%get3A_11, %get3A_12] : memref<1x48xf32, #tpu.memory_space<vmem>>, vector<1x48xf32>
    %slice3A_14 = vector.extract_strided_slice %get3A_7 {offsets = [0, 0], sizes = [1, 48], strides = [1, 1]} : vector<2x48xf32> to vector<1x48xf32>
    %mul3A = arith.constant 9.99999974E-5 : f32
    %mul3A_15 = vector.broadcast %mul3A : f32 to vector<1x48xf32>
    %mul3A_16 = arith.mulf %slice3A_14, %mul3A_15 : vector<1x48xf32>
    %slice3A_17 = vector.extract_strided_slice %get3A_7 {offsets = [1, 0], sizes = [1, 48], strides = [1, 1]} : vector<2x48xf32> to vector<1x48xf32>
    %mul3A_18 = arith.constant 9.99999974E-5 : f32
    %mul3A_19 = vector.broadcast %mul3A_18 : f32 to vector<1x48xf32>
    %mul3A_20 = arith.mulf %slice3A_17, %mul3A_19 : vector<1x48xf32>
    %mul3A_21 = arith.mulf %mul3A_16, %mul3A_16 : vector<1x48xf32>
    %sub3A = arith.subf %mul3A_20, %mul3A_21 : vector<1x48xf32>
    %sub3A_22 = vector.broadcast %mul3A_16 : vector<1x48xf32> to vector<2000x48xf32>
    %sub3A_23 = arith.subf %get3A_1, %sub3A_22 : vector<2000x48xf32>
    %mul3A_24 = vector.broadcast %get3A_10 : vector<1x48xf32> to vector<2000x48xf32>
    %mul3A_25 = arith.mulf %mul3A_24, %sub3A_23 : vector<2000x48xf32>
    %add3A = arith.constant 9.99999974E-6 : f32
    %add3A_26 = vector.broadcast %add3A : f32 to vector<1x48xf32>
    %add3A_27 = arith.addf %sub3A, %add3A_26 : vector<1x48xf32>
    %sqrt3A = math.sqrt %add3A_27 : vector<1x48xf32>
    %div3A = vector.broadcast %sqrt3A : vector<1x48xf32> to vector<2000x48xf32>
    %div3A_28 = arith.divf %mul3A_25, %div3A : vector<2000x48xf32>
    %add3A_29 = vector.broadcast %get3A_13 : vector<1x48xf32> to vector<2000x48xf32>
    %add3A_30 = arith.addf %div3A_28, %add3A_29 : vector<2000x48xf32>
    %ge3A = arith.constant 0.000000e+00 : f32
    %ge3A_31 = vector.broadcast %ge3A : f32 to vector<2000x48xf32>
    %ge3A_32 = arith.cmpf oge, %add3A_30, %ge3A_31 : vector<2000x48xf32>
    %mul3A_33 = arith.constant 1.000000e-01 : f32
    %mul3A_34 = vector.broadcast %mul3A_33 : f32 to vector<2000x48xf32>
    %mul3A_35 = arith.mulf %mul3A_34, %add3A_30 : vector<2000x48xf32>
    %select_n3A = arith.select %ge3A_32, %add3A_30, %mul3A_35 : vector<2000x48xi1>, vector<2000x48xf32>
    %mul3A_36 = vector.broadcast %convert_element_type3A_4 : vector<2000x1xf32> to vector<2000x48xf32>
    %mul3A_37 = arith.mulf %select_n3A, %mul3A_36 : vector<2000x48xf32>
    %iota3A = tpu.iota {dimensions = array<i32: 1>} : vector<2000x48xi32>
    %broadcast_in_dim3A = vector.shape_cast %convert_element_type3A_4 : vector<2000x1xf32> to vector<2000x1xf32>
    %broadcast_in_dim3A_38 = vector.broadcast %broadcast_in_dim3A : vector<2000x1xf32> to vector<2000x48xf32>
    %broadcast_in_dim3A_39 = vector.shape_cast %slice3A : vector<2000x1xf32> to vector<2000x1xf32>
    %broadcast_in_dim3A_40 = vector.broadcast %broadcast_in_dim3A_39 : vector<2000x1xf32> to vector<2000x48xf32>
    %lt3A = arith.constant 32 : i32
    %lt3A_41 = vector.broadcast %lt3A : i32 to vector<2000x48xi32>
    %lt3A_42 = arith.cmpi slt, %iota3A, %lt3A_41 : vector<2000x48xi32>
    %eq3A = arith.constant 32 : i32
    %eq3A_43 = vector.broadcast %eq3A : i32 to vector<2000x48xi32>
    %eq3A_44 = arith.cmpi eq, %iota3A, %eq3A_43 : vector<2000x48xi32>
    %eq3A_45 = arith.constant 33 : i32
    %eq3A_46 = vector.broadcast %eq3A_45 : i32 to vector<2000x48xi32>
    %eq3A_47 = arith.cmpi eq, %iota3A, %eq3A_46 : vector<2000x48xi32>
    %eq3A_48 = arith.constant 34 : i32
    %eq3A_49 = vector.broadcast %eq3A_48 : i32 to vector<2000x48xi32>
    %eq3A_50 = arith.cmpi eq, %iota3A, %eq3A_49 : vector<2000x48xi32>
    %jit3A = arith.constant 0.000000e+00 : f32
    %broadcast_in_dim3A_51 = vector.broadcast %jit3A : f32 to vector<2000x48xf32>
    %select_n3A_52 = arith.select %eq3A_50, %broadcast_in_dim3A_40, %broadcast_in_dim3A_51 : vector<2000x48xi1>, vector<2000x48xf32>
    %jit3A_53 = arith.constant 1.000000e+00 : f32
    %broadcast_in_dim3A_54 = vector.broadcast %jit3A_53 : f32 to vector<2000x48xf32>
    %select_n3A_55 = arith.select %eq3A_47, %broadcast_in_dim3A_54, %select_n3A_52 : vector<2000x48xi1>, vector<2000x48xf32>
    %select_n3A_56 = arith.select %eq3A_44, %broadcast_in_dim3A_38, %select_n3A_55 : vector<2000x48xi1>, vector<2000x48xf32>
    %select_n3A_57 = arith.select %lt3A_42, %mul3A_37, %select_n3A_56 : vector<2000x48xi1>, vector<2000x48xf32>
    %swap3A = arith.constant 0 : index
    %swap3A_58 = arith.constant 0 : index
    %swap3A_59 = vector.load %arg5[%swap3A, %swap3A_58] : memref<2000x48xf32, #tpu.memory_space<vmem>>, vector<2000x48xf32>
    tpu.vector_store %arg5[%swap3A, %swap3A_58], %select_n3A_57 {strides = array<i32>} : memref<2000x48xf32, #tpu.memory_space<vmem>>, vector<2000x48xf32>,
    return
  }
  func.func @transform_0(%arg0: i32) -> (i32, i32) {
    %c0_i32 = arith.constant 0 : i32
    %c0_i32_0 = arith.constant 0 : i32
    return %arg0, %c0_i32 : i32, i32
  }
  func.func @transform_1(%arg0: i32) -> (i32, i32) {
    %c0_i32 = arith.constant 0 : i32
    %c0_i32_0 = arith.constant 0 : i32
    %c0_i32_1 = arith.constant 0 : i32
    return %c0_i32, %c0_i32_0 : i32, i32
  }
  func.func @transform_2(%arg0: i32) -> (i32, i32) {
    %c0_i32 = arith.constant 0 : i32
    %c0_i32_0 = arith.constant 0 : i32
    %c0_i32_1 = arith.constant 0 : i32
    return %c0_i32, %c0_i32_0 : i32, i32
  }
  func.func @transform_3(%arg0: i32) -> (i32, i32) {
    %c0_i32 = arith.constant 0 : i32
    %c0_i32_0 = arith.constant 0 : i32
    %c0_i32_1 = arith.constant 0 : i32
    return %c0_i32, %c0_i32_0 : i32, i32
  }
  func.func @transform_4(%arg0: i32) -> (i32, i32) {
    %c0_i32 = arith.constant 0 : i32
    %c0_i32_0 = arith.constant 0 : i32
    return %arg0, %c0_i32 : i32, i32
  }
}

module attributes {stable_mosaic.version = 14 : i64} {
  func.func @_stage_a1(%arg0: i32, %arg1: memref<2000x128xf32, #tpu.memory_space<vmem>>, %arg2: memref<2000x1xf32, #tpu.memory_space<vmem>>, %arg3: memref<128x48xf32, #tpu.memory_space<vmem>>, %arg4: memref<1x48xf32, #tpu.memory_space<vmem>>, %arg5: memref<2000x48xf32, #tpu.memory_space<vmem>>, %arg6: memref<2x48xf32, #tpu.memory_space<vmem>>) attributes {dimension_semantics = [#tpu.dimension_semantics<arbitrary>], iteration_bounds = array<i64: 5>, scalar_prefetch = 0 : i64, scratch_operands = 0 : i64, tpu.core_type = #tpu.core_type<tc>, window_params = [{transform_indices = @transform_0, window_bounds = array<i64: 2000, 128>}, {transform_indices = @transform_1, window_bounds = array<i64: 2000, 1>}, {pipeline_mode = #tpu.pipeline_mode<synchronous>, transform_indices = @transform_2, window_bounds = array<i64: 128, 48>}, {pipeline_mode = #tpu.pipeline_mode<synchronous>, transform_indices = @transform_3, window_bounds = array<i64: 1, 48>}, {transform_indices = @transform_4, window_bounds = array<i64: 2000, 48>}, {pipeline_mode = #tpu.pipeline_mode<synchronous>, transform_indices = @transform_5, window_bounds = array<i64: 2, 48>}]} {
    %get3A = arith.constant 0 : index
    %get3A_0 = arith.constant 0 : index
    %get3A_1 = vector.load %arg2[%get3A, %get3A_0] : memref<2000x1xf32, #tpu.memory_space<vmem>>, vector<2000x1xf32>
    %gt3A = arith.constant 0.000000e+00 : f32
    %gt3A_2 = vector.broadcast %gt3A : f32 to vector<2000x1xf32>
    %gt3A_3 = arith.cmpf ogt, %get3A_1, %gt3A_2 : vector<2000x1xf32>
    %convert_element_type3A = arith.extui %gt3A_3 : vector<2000x1xi1> to vector<2000x1xi32>
    %convert_element_type3A_4 = arith.sitofp %convert_element_type3A : vector<2000x1xi32> to vector<2000x1xf32>
    %jit3A = arith.constant 9.99999974E-6 : f32
    %max3A = vector.broadcast %jit3A : f32 to vector<2000x1xf32>
    %max3A_5 = arith.maximumf %max3A, %get3A_1 : vector<2000x1xf32>
    %div3A = arith.divf %convert_element_type3A_4, %max3A_5 : vector<2000x1xf32>
    %get3A_6 = arith.constant 0 : index
    %get3A_7 = arith.constant 0 : index
    %get3A_8 = vector.load %arg1[%get3A_6, %get3A_7] : memref<2000x128xf32, #tpu.memory_space<vmem>>, vector<2000x128xf32>
    %mul3A = vector.broadcast %get3A_1 : vector<2000x1xf32> to vector<2000x128xf32>
    %mul3A_9 = arith.mulf %get3A_8, %mul3A : vector<2000x128xf32>
    %get3A_10 = arith.constant 0 : index
    %get3A_11 = arith.constant 0 : index
    %get3A_12 = vector.load %arg3[%get3A_10, %get3A_11] : memref<128x48xf32, #tpu.memory_space<vmem>>, vector<128x48xf32>
    %dot_general3A = arith.constant dense<0.000000e+00> : vector<2000x48xf32>
    %dot_general3A_13 = tpu.matmul %mul3A_9, %get3A_12, %dot_general3A {dimension_numbers = #tpu.dot_dimension_numbers<[1], [0], [0], [1], [0, 0, 1, 1], [], []>, transpose_lhs_hint = false} : vector<2000x128xf32>, vector<128x48xf32>, vector<2000x48xf32> -> vector<2000x48xf32>
    %mul3A_14 = vector.broadcast %div3A : vector<2000x1xf32> to vector<2000x48xf32>
    %mul3A_15 = arith.mulf %dot_general3A_13, %mul3A_14 : vector<2000x48xf32>
    %get3A_16 = arith.constant 0 : index
    %get3A_17 = arith.constant 0 : index
    %get3A_18 = vector.load %arg4[%get3A_16, %get3A_17] : memref<1x48xf32, #tpu.memory_space<vmem>>, vector<1x48xf32>
    %mul3A_19 = vector.broadcast %get3A_18 : vector<1x48xf32> to vector<2000x48xf32>
    %mul3A_20 = vector.broadcast %convert_element_type3A_4 : vector<2000x1xf32> to vector<2000x48xf32>
    %mul3A_21 = arith.mulf %mul3A_19, %mul3A_20 : vector<2000x48xf32>
    %add3A = arith.addf %mul3A_15, %mul3A_21 : vector<2000x48xf32>
    %iota3A = tpu.iota {dimensions = array<i32: 1>} : vector<2000x48xi32>
    %eq3A = arith.constant 32 : i32
    %eq3A_22 = vector.broadcast %eq3A : i32 to vector<2000x48xi32>
    %eq3A_23 = arith.cmpi eq, %iota3A, %eq3A_22 : vector<2000x48xi32>
    %broadcast_in_dim3A = vector.shape_cast %get3A_1 : vector<2000x1xf32> to vector<2000x1xf32>
    %broadcast_in_dim3A_24 = vector.broadcast %broadcast_in_dim3A : vector<2000x1xf32> to vector<2000x48xf32>
    %select_n3A = arith.select %eq3A_23, %broadcast_in_dim3A_24, %add3A : vector<2000x48xi1>, vector<2000x48xf32>
    %swap3A = arith.constant 0 : index
    %swap3A_25 = arith.constant 0 : index
    %swap3A_26 = vector.load %arg5[%swap3A, %swap3A_25] : memref<2000x48xf32, #tpu.memory_space<vmem>>, vector<2000x48xf32>
    tpu.vector_store %arg5[%swap3A, %swap3A_25], %select_n3A {strides = array<i32>} : memref<2000x48xf32, #tpu.memory_space<vmem>>, vector<2000x48xf32>,
    %eq3A_27 = arith.constant 0 : i32
    %eq3A_28 = arith.cmpi eq, %arg0, %eq3A_27 : i32
    %convert_element_type3A_29 = arith.extui %eq3A_28 : i1 to i32
    %cond3A = arith.constant 0 : i32
    %cond3A_30 = arith.cmpi ne, %convert_element_type3A_29, %cond3A : i32
    scf.if %cond3A_30 {
      %broadcast_in_dim3A_44 = arith.constant 0.000000e+00 : f32
      %broadcast_in_dim3A_45 = vector.broadcast %broadcast_in_dim3A_44 : f32 to vector<2x48xf32>
      %swap3A_46 = arith.constant 0 : index
      %swap3A_47 = arith.constant 0 : index
      %swap3A_48 = vector.load %arg6[%swap3A_46, %swap3A_47] : memref<2x48xf32, #tpu.memory_space<vmem>>, vector<2x48xf32>
      tpu.vector_store %arg6[%swap3A_46, %swap3A_47], %broadcast_in_dim3A_45 {strides = array<i32>} : memref<2x48xf32, #tpu.memory_space<vmem>>, vector<2x48xf32>,
    } else {
    }
    %reduce_sum3A = arith.constant dense<0.000000e+00> : vector<48xf32>
    %reduce_sum3A_31 = vector.multi_reduction <add>, %select_n3A, %reduce_sum3A [0] : vector<2000x48xf32> to vector<48xf32>
    %broadcast_in_dim3A_32 = vector.shape_cast %reduce_sum3A_31 : vector<48xf32> to vector<1x48xf32>
    %mul3A_33 = arith.mulf %select_n3A, %select_n3A : vector<2000x48xf32>
    %reduce_sum3A_34 = arith.constant dense<0.000000e+00> : vector<48xf32>
    %reduce_sum3A_35 = vector.multi_reduction <add>, %mul3A_33, %reduce_sum3A_34 [0] : vector<2000x48xf32> to vector<48xf32>
    %broadcast_in_dim3A_36 = vector.shape_cast %reduce_sum3A_35 : vector<48xf32> to vector<1x48xf32>
    %get3A_37 = arith.constant 0 : index
    %get3A_38 = arith.constant 0 : index
    %get3A_39 = vector.load %arg6[%get3A_37, %get3A_38] : memref<2x48xf32, #tpu.memory_space<vmem>>, vector<2x48xf32>
    %concatenate3A = tpu.concatenate %broadcast_in_dim3A_32, %broadcast_in_dim3A_36 in 0 : vector<1x48xf32>, vector<1x48xf32> -> vector<2x48xf32>
    %add3A_40 = arith.addf %get3A_39, %concatenate3A : vector<2x48xf32>
    %swap3A_41 = arith.constant 0 : index
    %swap3A_42 = arith.constant 0 : index
    %swap3A_43 = vector.load %arg6[%swap3A_41, %swap3A_42] : memref<2x48xf32, #tpu.memory_space<vmem>>, vector<2x48xf32>
    tpu.vector_store %arg6[%swap3A_41, %swap3A_42], %add3A_40 {strides = array<i32>} : memref<2x48xf32, #tpu.memory_space<vmem>>, vector<2x48xf32>,
    return
  }
  func.func @transform_0(%arg0: i32) -> (i32, i32) {
    %c0_i32 = arith.constant 0 : i32
    %c0_i32_0 = arith.constant 0 : i32
    return %arg0, %c0_i32 : i32, i32
  }
  func.func @transform_1(%arg0: i32) -> (i32, i32) {
    %c0_i32 = arith.constant 0 : i32
    %c0_i32_0 = arith.constant 0 : i32
    return %arg0, %c0_i32 : i32, i32
  }
  func.func @transform_2(%arg0: i32) -> (i32, i32) {
    %c0_i32 = arith.constant 0 : i32
    %c0_i32_0 = arith.constant 0 : i32
    %c0_i32_1 = arith.constant 0 : i32
    return %c0_i32, %c0_i32_0 : i32, i32
  }
  func.func @transform_3(%arg0: i32) -> (i32, i32) {
    %c0_i32 = arith.constant 0 : i32
    %c0_i32_0 = arith.constant 0 : i32
    %c0_i32_1 = arith.constant 0 : i32
    return %c0_i32, %c0_i32_0 : i32, i32
  }
  func.func @transform_4(%arg0: i32) -> (i32, i32) {
    %c0_i32 = arith.constant 0 : i32
    %c0_i32_0 = arith.constant 0 : i32
    return %arg0, %c0_i32 : i32, i32
  }
  func.func @transform_5(%arg0: i32) -> (i32, i32) {
    %c0_i32 = arith.constant 0 : i32
    %c0_i32_0 = arith.constant 0 : i32
    %c0_i32_1 = arith.constant 0 : i32
    return %c0_i32, %c0_i32_0 : i32, i32
  }
}

module attributes {stable_mosaic.version = 14 : i64} {
  func.func @_stage_c1(%arg0: i32, %arg1: memref<2x2000x48xf32, #tpu.memory_space<vmem>>, %arg2: memref<2000x48xf32, #tpu.memory_space<vmem>>, %arg3: memref<48x48xf32, #tpu.memory_space<vmem>>, %arg4: memref<48x48xf32, #tpu.memory_space<vmem>>, %arg5: memref<1x48xf32, #tpu.memory_space<vmem>>, %arg6: memref<2000x48xf32, #tpu.memory_space<vmem>>, %arg7: memref<2000x1xf32, #tpu.memory_space<vmem>>, %arg8: memref<2x48xf32, #tpu.memory_space<vmem>>) attributes {dimension_semantics = [#tpu.dimension_semantics<arbitrary>], iteration_bounds = array<i64: 5>, scalar_prefetch = 0 : i64, scratch_operands = 0 : i64, tpu.core_type = #tpu.core_type<tc>, window_params = [{transform_indices = @transform_0, window_bounds = array<i64: 2, 2000, 48>}, {transform_indices = @transform_1, window_bounds = array<i64: 2000, 48>}, {pipeline_mode = #tpu.pipeline_mode<synchronous>, transform_indices = @transform_2, window_bounds = array<i64: 48, 48>}, {pipeline_mode = #tpu.pipeline_mode<synchronous>, transform_indices = @transform_3, window_bounds = array<i64: 48, 48>}, {pipeline_mode = #tpu.pipeline_mode<synchronous>, transform_indices = @transform_4, window_bounds = array<i64: 1, 48>}, {transform_indices = @transform_5, window_bounds = array<i64: 2000, 48>}, {transform_indices = @transform_6, window_bounds = array<i64: 2000, 1>}, {pipeline_mode = #tpu.pipeline_mode<synchronous>, transform_indices = @transform_7, window_bounds = array<i64: 2, 48>}]} {
    %get3A = arith.constant 0 : index
    %get3A_0 = arith.constant 0 : index
    %get3A_1 = vector.load %arg2[%get3A, %get3A_0] : memref<2000x48xf32, #tpu.memory_space<vmem>>, vector<2000x48xf32>
    %get3A_2 = arith.constant 0 : index
    %get3A_3 = arith.constant 0 : index
    %get3A_4 = arith.constant 0 : index
    %get3A_5 = vector.load %arg1[%get3A_2, %get3A_3, %get3A_4] : memref<2x2000x48xf32, #tpu.memory_space<vmem>>, vector<1x2000x48xf32>
    %get3A_6 = vector.shape_cast %get3A_5 : vector<1x2000x48xf32> to vector<2000x48xf32>
    %get3A_7 = arith.constant 1 : index
    %get3A_8 = arith.constant 0 : index
    %get3A_9 = arith.constant 0 : index
    %get3A_10 = vector.load %arg1[%get3A_7, %get3A_8, %get3A_9] : memref<2x2000x48xf32, #tpu.memory_space<vmem>>, vector<1x2000x48xf32>
    %get3A_11 = vector.shape_cast %get3A_10 : vector<1x2000x48xf32> to vector<2000x48xf32>
    %add3A = arith.addf %get3A_6, %get3A_11 : vector<2000x48xf32>
    %add3A_12 = arith.addf %add3A, %get3A_1 : vector<2000x48xf32>
    %slice3A = vector.extract_strided_slice %add3A_12 {offsets = [0, 32], sizes = [2000, 1], strides = [1, 1]} : vector<2000x48xf32> to vector<2000x1xf32>
    %slice3A_13 = vector.extract_strided_slice %add3A_12 {offsets = [0, 33], sizes = [2000, 1], strides = [1, 1]} : vector<2000x48xf32> to vector<2000x1xf32>
    %slice3A_14 = vector.extract_strided_slice %get3A_1 {offsets = [0, 34], sizes = [2000, 1], strides = [1, 1]} : vector<2000x48xf32> to vector<2000x1xf32>
    %gt3A = arith.constant 0.000000e+00 : f32
    %gt3A_15 = vector.broadcast %gt3A : f32 to vector<2000x1xf32>
    %gt3A_16 = arith.cmpf ogt, %slice3A, %gt3A_15 : vector<2000x1xf32>
    %convert_element_type3A = arith.extui %gt3A_16 : vector<2000x1xi1> to vector<2000x1xi32>
    %convert_element_type3A_17 = arith.sitofp %convert_element_type3A : vector<2000x1xi32> to vector<2000x1xf32>
    %mul3A = arith.mulf %convert_element_type3A_17, %slice3A_13 : vector<2000x1xf32>
    %jit3A = arith.constant 9.99999974E-6 : f32
    %max3A = vector.broadcast %jit3A : f32 to vector<2000x1xf32>
    %max3A_18 = arith.maximumf %max3A, %slice3A : vector<2000x1xf32>
    %div3A = arith.divf %mul3A, %max3A_18 : vector<2000x1xf32>
    %get3A_19 = arith.constant 0 : index
    %get3A_20 = arith.constant 0 : index
    %get3A_21 = vector.load %arg3[%get3A_19, %get3A_20] : memref<48x48xf32, #tpu.memory_space<vmem>>, vector<48x48xf32>
    %dot_general3A = arith.constant dense<0.000000e+00> : vector<2000x48xf32>
    %dot_general3A_22 = tpu.matmul %add3A_12, %get3A_21, %dot_general3A {dimension_numbers = #tpu.dot_dimension_numbers<[1], [0], [0], [1], [0, 0, 1, 1], [], []>, transpose_lhs_hint = false} : vector<2000x48xf32>, vector<48x48xf32>, vector<2000x48xf32> -> vector<2000x48xf32>
    %get3A_23 = arith.constant 0 : index
    %get3A_24 = arith.constant 0 : index
    %get3A_25 = vector.load %arg4[%get3A_23, %get3A_24] : memref<48x48xf32, #tpu.memory_space<vmem>>, vector<48x48xf32>
    %dot_general3A_26 = arith.constant dense<0.000000e+00> : vector<2000x48xf32>
    %dot_general3A_27 = tpu.matmul %get3A_1, %get3A_25, %dot_general3A_26 {dimension_numbers = #tpu.dot_dimension_numbers<[1], [0], [0], [1], [0, 0, 1, 1], [], []>, transpose_lhs_hint = false} : vector<2000x48xf32>, vector<48x48xf32>, vector<2000x48xf32> -> vector<2000x48xf32>
    %add3A_28 = arith.addf %dot_general3A_22, %dot_general3A_27 : vector<2000x48xf32>
    %mul3A_29 = vector.broadcast %div3A : vector<2000x1xf32> to vector<2000x48xf32>
    %mul3A_30 = arith.mulf %add3A_28, %mul3A_29 : vector<2000x48xf32>
    %get3A_31 = arith.constant 0 : index
    %get3A_32 = arith.constant 0 : index
    %get3A_33 = vector.load %arg5[%get3A_31, %get3A_32] : memref<1x48xf32, #tpu.memory_space<vmem>>, vector<1x48xf32>
    %mul3A_34 = vector.broadcast %get3A_33 : vector<1x48xf32> to vector<2000x48xf32>
    %mul3A_35 = vector.broadcast %convert_element_type3A_17 : vector<2000x1xf32> to vector<2000x48xf32>
    %mul3A_36 = arith.mulf %mul3A_34, %mul3A_35 : vector<2000x48xf32>
    %add3A_37 = arith.addf %mul3A_30, %mul3A_36 : vector<2000x48xf32>
    %jit3A_38 = arith.constant 0.000000e+00 : f32
    %jit3A_39 = arith.constant 1.000000e+00 : f32
    %max3A_40 = vector.broadcast %jit3A_38 : f32 to vector<2000x1xf32>
    %max3A_41 = arith.maximumf %max3A_40, %slice3A : vector<2000x1xf32>
    %min3A = vector.broadcast %jit3A_39 : f32 to vector<2000x1xf32>
    %min3A_42 = arith.minimumf %min3A, %max3A_41 : vector<2000x1xf32>
    %iota3A = tpu.iota {dimensions = array<i32: 1>} : vector<2000x48xi32>
    %eq3A = arith.constant 32 : i32
    %eq3A_43 = vector.broadcast %eq3A : i32 to vector<2000x48xi32>
    %eq3A_44 = arith.cmpi eq, %iota3A, %eq3A_43 : vector<2000x48xi32>
    %broadcast_in_dim3A = vector.shape_cast %min3A_42 : vector<2000x1xf32> to vector<2000x1xf32>
    %broadcast_in_dim3A_45 = vector.broadcast %broadcast_in_dim3A : vector<2000x1xf32> to vector<2000x48xf32>
    %select_n3A = arith.select %eq3A_44, %broadcast_in_dim3A_45, %add3A_37 : vector<2000x48xi1>, vector<2000x48xf32>
    %swap3A = arith.constant 0 : index
    %swap3A_46 = arith.constant 0 : index
    %swap3A_47 = vector.load %arg6[%swap3A, %swap3A_46] : memref<2000x48xf32, #tpu.memory_space<vmem>>, vector<2000x48xf32>
    tpu.vector_store %arg6[%swap3A, %swap3A_46], %select_n3A {strides = array<i32>} : memref<2000x48xf32, #tpu.memory_space<vmem>>, vector<2000x48xf32>,
    %add3A_48 = arith.addf %min3A_42, %slice3A_14 : vector<2000x1xf32>
    %jit3A_49 = arith.constant 0.000000e+00 : f32
    %jit3A_50 = arith.constant 1.000000e+00 : f32
    %max3A_51 = vector.broadcast %jit3A_49 : f32 to vector<2000x1xf32>
    %max3A_52 = arith.maximumf %max3A_51, %add3A_48 : vector<2000x1xf32>
    %min3A_53 = vector.broadcast %jit3A_50 : f32 to vector<2000x1xf32>
    %min3A_54 = arith.minimumf %min3A_53, %max3A_52 : vector<2000x1xf32>
    %swap3A_55 = arith.constant 0 : index
    %swap3A_56 = arith.constant 0 : index
    %swap3A_57 = vector.load %arg7[%swap3A_55, %swap3A_56] : memref<2000x1xf32, #tpu.memory_space<vmem>>, vector<2000x1xf32>
    tpu.vector_store %arg7[%swap3A_55, %swap3A_56], %min3A_54 {strides = array<i32>} : memref<2000x1xf32, #tpu.memory_space<vmem>>, vector<2000x1xf32>,
    %eq3A_58 = arith.constant 0 : i32
    %eq3A_59 = arith.cmpi eq, %arg0, %eq3A_58 : i32
    %convert_element_type3A_60 = arith.extui %eq3A_59 : i1 to i32
    %cond3A = arith.constant 0 : i32
    %cond3A_61 = arith.cmpi ne, %convert_element_type3A_60, %cond3A : i32
    scf.if %cond3A_61 {
      %broadcast_in_dim3A_75 = arith.constant 0.000000e+00 : f32
      %broadcast_in_dim3A_76 = vector.broadcast %broadcast_in_dim3A_75 : f32 to vector<2x48xf32>
      %swap3A_77 = arith.constant 0 : index
      %swap3A_78 = arith.constant 0 : index
      %swap3A_79 = vector.load %arg8[%swap3A_77, %swap3A_78] : memref<2x48xf32, #tpu.memory_space<vmem>>, vector<2x48xf32>
      tpu.vector_store %arg8[%swap3A_77, %swap3A_78], %broadcast_in_dim3A_76 {strides = array<i32>} : memref<2x48xf32, #tpu.memory_space<vmem>>, vector<2x48xf32>,
    } else {
    }
    %reduce_sum3A = arith.constant dense<0.000000e+00> : vector<48xf32>
    %reduce_sum3A_62 = vector.multi_reduction <add>, %select_n3A, %reduce_sum3A [0] : vector<2000x48xf32> to vector<48xf32>
    %broadcast_in_dim3A_63 = vector.shape_cast %reduce_sum3A_62 : vector<48xf32> to vector<1x48xf32>
    %mul3A_64 = arith.mulf %select_n3A, %select_n3A : vector<2000x48xf32>
    %reduce_sum3A_65 = arith.constant dense<0.000000e+00> : vector<48xf32>
    %reduce_sum3A_66 = vector.multi_reduction <add>, %mul3A_64, %reduce_sum3A_65 [0] : vector<2000x48xf32> to vector<48xf32>
    %broadcast_in_dim3A_67 = vector.shape_cast %reduce_sum3A_66 : vector<48xf32> to vector<1x48xf32>
    %get3A_68 = arith.constant 0 : index
    %get3A_69 = arith.constant 0 : index
    %get3A_70 = vector.load %arg8[%get3A_68, %get3A_69] : memref<2x48xf32, #tpu.memory_space<vmem>>, vector<2x48xf32>
    %concatenate3A = tpu.concatenate %broadcast_in_dim3A_63, %broadcast_in_dim3A_67 in 0 : vector<1x48xf32>, vector<1x48xf32> -> vector<2x48xf32>
    %add3A_71 = arith.addf %get3A_70, %concatenate3A : vector<2x48xf32>
    %swap3A_72 = arith.constant 0 : index
    %swap3A_73 = arith.constant 0 : index
    %swap3A_74 = vector.load %arg8[%swap3A_72, %swap3A_73] : memref<2x48xf32, #tpu.memory_space<vmem>>, vector<2x48xf32>
    tpu.vector_store %arg8[%swap3A_72, %swap3A_73], %add3A_71 {strides = array<i32>} : memref<2x48xf32, #tpu.memory_space<vmem>>, vector<2x48xf32>,
    return
  }
  func.func @transform_0(%arg0: i32) -> (i32, i32, i32) {
    %c0_i32 = arith.constant 0 : i32
    %c0_i32_0 = arith.constant 0 : i32
    %c0_i32_1 = arith.constant 0 : i32
    return %c0_i32, %arg0, %c0_i32_0 : i32, i32, i32
  }
  func.func @transform_1(%arg0: i32) -> (i32, i32) {
    %c0_i32 = arith.constant 0 : i32
    %c0_i32_0 = arith.constant 0 : i32
    return %arg0, %c0_i32 : i32, i32
  }
  func.func @transform_2(%arg0: i32) -> (i32, i32) {
    %c0_i32 = arith.constant 0 : i32
    %c0_i32_0 = arith.constant 0 : i32
    %c0_i32_1 = arith.constant 0 : i32
    return %c0_i32, %c0_i32_0 : i32, i32
  }
  func.func @transform_3(%arg0: i32) -> (i32, i32) {
    %c0_i32 = arith.constant 0 : i32
    %c0_i32_0 = arith.constant 0 : i32
    %c0_i32_1 = arith.constant 0 : i32
    return %c0_i32, %c0_i32_0 : i32, i32
  }
  func.func @transform_4(%arg0: i32) -> (i32, i32) {
    %c0_i32 = arith.constant 0 : i32
    %c0_i32_0 = arith.constant 0 : i32
    %c0_i32_1 = arith.constant 0 : i32
    return %c0_i32, %c0_i32_0 : i32, i32
  }
  func.func @transform_5(%arg0: i32) -> (i32, i32) {
    %c0_i32 = arith.constant 0 : i32
    %c0_i32_0 = arith.constant 0 : i32
    return %arg0, %c0_i32 : i32, i32
  }
  func.func @transform_6(%arg0: i32) -> (i32, i32) {
    %c0_i32 = arith.constant 0 : i32
    %c0_i32_0 = arith.constant 0 : i32
    return %arg0, %c0_i32 : i32, i32
  }
  func.func @transform_7(%arg0: i32) -> (i32, i32) {
    %c0_i32 = arith.constant 0 : i32
    %c0_i32_0 = arith.constant 0 : i32
    %c0_i32_1 = arith.constant 0 : i32
    return %c0_i32, %c0_i32_0 : i32, i32
  }
}

module attributes {stable_mosaic.version = 14 : i64} {
  func.func @_stage_c2(%arg0: i32, %arg1: memref<2000x48xf32, #tpu.memory_space<vmem>>, %arg2: memref<2x48xf32, #tpu.memory_space<vmem>>, %arg3: memref<1x48xf32, #tpu.memory_space<vmem>>, %arg4: memref<1x48xf32, #tpu.memory_space<vmem>>, %arg5: memref<48x128xf32, #tpu.memory_space<vmem>>, %arg6: memref<1x128xf32, #tpu.memory_space<vmem>>, %arg7: memref<2000x128xf32, #tpu.memory_space<vmem>>, %arg8: memref<2x128xf32, #tpu.memory_space<vmem>>) attributes {dimension_semantics = [#tpu.dimension_semantics<arbitrary>], iteration_bounds = array<i64: 5>, scalar_prefetch = 0 : i64, scratch_operands = 0 : i64, tpu.core_type = #tpu.core_type<tc>, window_params = [{transform_indices = @transform_0, window_bounds = array<i64: 2000, 48>}, {pipeline_mode = #tpu.pipeline_mode<synchronous>, transform_indices = @transform_1, window_bounds = array<i64: 2, 48>}, {pipeline_mode = #tpu.pipeline_mode<synchronous>, transform_indices = @transform_2, window_bounds = array<i64: 1, 48>}, {pipeline_mode = #tpu.pipeline_mode<synchronous>, transform_indices = @transform_3, window_bounds = array<i64: 1, 48>}, {pipeline_mode = #tpu.pipeline_mode<synchronous>, transform_indices = @transform_4, window_bounds = array<i64: 48, 128>}, {pipeline_mode = #tpu.pipeline_mode<synchronous>, transform_indices = @transform_5, window_bounds = array<i64: 1, 128>}, {transform_indices = @transform_6, window_bounds = array<i64: 2000, 128>}, {pipeline_mode = #tpu.pipeline_mode<synchronous>, transform_indices = @transform_7, window_bounds = array<i64: 2, 128>}]} {
    %get3A = arith.constant 0 : index
    %get3A_0 = arith.constant 0 : index
    %get3A_1 = vector.load %arg1[%get3A, %get3A_0] : memref<2000x48xf32, #tpu.memory_space<vmem>>, vector<2000x48xf32>
    %slice3A = vector.extract_strided_slice %get3A_1 {offsets = [0, 32], sizes = [2000, 1], strides = [1, 1]} : vector<2000x48xf32> to vector<2000x1xf32>
    %get3A_2 = arith.constant 0 : index
    %get3A_3 = arith.constant 0 : index
    %get3A_4 = vector.load %arg2[%get3A_2, %get3A_3] : memref<2x48xf32, #tpu.memory_space<vmem>>, vector<2x48xf32>
    %get3A_5 = arith.constant 0 : index
    %get3A_6 = arith.constant 0 : index
    %get3A_7 = vector.load %arg3[%get3A_5, %get3A_6] : memref<1x48xf32, #tpu.memory_space<vmem>>, vector<1x48xf32>
    %get3A_8 = arith.constant 0 : index
    %get3A_9 = arith.constant 0 : index
    %get3A_10 = vector.load %arg4[%get3A_8, %get3A_9] : memref<1x48xf32, #tpu.memory_space<vmem>>, vector<1x48xf32>
    %slice3A_11 = vector.extract_strided_slice %get3A_4 {offsets = [0, 0], sizes = [1, 48], strides = [1, 1]} : vector<2x48xf32> to vector<1x48xf32>
    %mul3A = arith.constant 9.99999974E-5 : f32
    %mul3A_12 = vector.broadcast %mul3A : f32 to vector<1x48xf32>
    %mul3A_13 = arith.mulf %slice3A_11, %mul3A_12 : vector<1x48xf32>
    %slice3A_14 = vector.extract_strided_slice %get3A_4 {offsets = [1, 0], sizes = [1, 48], strides = [1, 1]} : vector<2x48xf32> to vector<1x48xf32>
    %mul3A_15 = arith.constant 9.99999974E-5 : f32
    %mul3A_16 = vector.broadcast %mul3A_15 : f32 to vector<1x48xf32>
    %mul3A_17 = arith.mulf %slice3A_14, %mul3A_16 : vector<1x48xf32>
    %mul3A_18 = arith.mulf %mul3A_13, %mul3A_13 : vector<1x48xf32>
    %sub3A = arith.subf %mul3A_17, %mul3A_18 : vector<1x48xf32>
    %sub3A_19 = vector.broadcast %mul3A_13 : vector<1x48xf32> to vector<2000x48xf32>
    %sub3A_20 = arith.subf %get3A_1, %sub3A_19 : vector<2000x48xf32>
    %mul3A_21 = vector.broadcast %get3A_7 : vector<1x48xf32> to vector<2000x48xf32>
    %mul3A_22 = arith.mulf %mul3A_21, %sub3A_20 : vector<2000x48xf32>
    %add3A = arith.constant 9.99999974E-6 : f32
    %add3A_23 = vector.broadcast %add3A : f32 to vector<1x48xf32>
    %add3A_24 = arith.addf %sub3A, %add3A_23 : vector<1x48xf32>
    %sqrt3A = math.sqrt %add3A_24 : vector<1x48xf32>
    %div3A = vector.broadcast %sqrt3A : vector<1x48xf32> to vector<2000x48xf32>
    %div3A_25 = arith.divf %mul3A_22, %div3A : vector<2000x48xf32>
    %add3A_26 = vector.broadcast %get3A_10 : vector<1x48xf32> to vector<2000x48xf32>
    %add3A_27 = arith.addf %div3A_25, %add3A_26 : vector<2000x48xf32>
    %ge3A = arith.constant 0.000000e+00 : f32
    %ge3A_28 = vector.broadcast %ge3A : f32 to vector<2000x48xf32>
    %ge3A_29 = arith.cmpf oge, %add3A_27, %ge3A_28 : vector<2000x48xf32>
    %mul3A_30 = arith.constant 1.000000e-01 : f32
    %mul3A_31 = vector.broadcast %mul3A_30 : f32 to vector<2000x48xf32>
    %mul3A_32 = arith.mulf %mul3A_31, %add3A_27 : vector<2000x48xf32>
    %select_n3A = arith.select %ge3A_29, %add3A_27, %mul3A_32 : vector<2000x48xi1>, vector<2000x48xf32>
    %gt3A = arith.constant 0.000000e+00 : f32
    %gt3A_33 = vector.broadcast %gt3A : f32 to vector<2000x1xf32>
    %gt3A_34 = arith.cmpf ogt, %slice3A, %gt3A_33 : vector<2000x1xf32>
    %convert_element_type3A = arith.extui %gt3A_34 : vector<2000x1xi1> to vector<2000x1xi32>
    %convert_element_type3A_35 = arith.sitofp %convert_element_type3A : vector<2000x1xi32> to vector<2000x1xf32>
    %jit3A = arith.constant 9.99999974E-6 : f32
    %max3A = vector.broadcast %jit3A : f32 to vector<2000x1xf32>
    %max3A_36 = arith.maximumf %max3A, %slice3A : vector<2000x1xf32>
    %div3A_37 = arith.divf %convert_element_type3A_35, %max3A_36 : vector<2000x1xf32>
    %mul3A_38 = vector.broadcast %slice3A : vector<2000x1xf32> to vector<2000x48xf32>
    %mul3A_39 = arith.mulf %select_n3A, %mul3A_38 : vector<2000x48xf32>
    %get3A_40 = arith.constant 0 : index
    %get3A_41 = arith.constant 0 : index
    %get3A_42 = vector.load %arg5[%get3A_40, %get3A_41] : memref<48x128xf32, #tpu.memory_space<vmem>>, vector<48x128xf32>
    %dot_general3A = arith.constant dense<0.000000e+00> : vector<2000x128xf32>
    %dot_general3A_43 = tpu.matmul %mul3A_39, %get3A_42, %dot_general3A {dimension_numbers = #tpu.dot_dimension_numbers<[1], [0], [0], [1], [0, 0, 1, 1], [], []>, transpose_lhs_hint = false} : vector<2000x48xf32>, vector<48x128xf32>, vector<2000x128xf32> -> vector<2000x128xf32>
    %mul3A_44 = vector.broadcast %div3A_37 : vector<2000x1xf32> to vector<2000x128xf32>
    %mul3A_45 = arith.mulf %dot_general3A_43, %mul3A_44 : vector<2000x128xf32>
    %get3A_46 = arith.constant 0 : index
    %get3A_47 = arith.constant 0 : index
    %get3A_48 = vector.load %arg6[%get3A_46, %get3A_47] : memref<1x128xf32, #tpu.memory_space<vmem>>, vector<1x128xf32>
    %mul3A_49 = vector.broadcast %get3A_48 : vector<1x128xf32> to vector<2000x128xf32>
    %mul3A_50 = vector.broadcast %convert_element_type3A_35 : vector<2000x1xf32> to vector<2000x128xf32>
    %mul3A_51 = arith.mulf %mul3A_49, %mul3A_50 : vector<2000x128xf32>
    %add3A_52 = arith.addf %mul3A_45, %mul3A_51 : vector<2000x128xf32>
    %swap3A = arith.constant 0 : index
    %swap3A_53 = arith.constant 0 : index
    %swap3A_54 = vector.load %arg7[%swap3A, %swap3A_53] : memref<2000x128xf32, #tpu.memory_space<vmem>>, vector<2000x128xf32>
    tpu.vector_store %arg7[%swap3A, %swap3A_53], %add3A_52 {strides = array<i32>} : memref<2000x128xf32, #tpu.memory_space<vmem>>, vector<2000x128xf32>,
    %eq3A = arith.constant 0 : i32
    %eq3A_55 = arith.cmpi eq, %arg0, %eq3A : i32
    %convert_element_type3A_56 = arith.extui %eq3A_55 : i1 to i32
    %cond3A = arith.constant 0 : i32
    %cond3A_57 = arith.cmpi ne, %convert_element_type3A_56, %cond3A : i32
    scf.if %cond3A_57 {
      %broadcast_in_dim3A_70 = arith.constant 0.000000e+00 : f32
      %broadcast_in_dim3A_71 = vector.broadcast %broadcast_in_dim3A_70 : f32 to vector<2x128xf32>
      %swap3A_72 = arith.constant 0 : index
      %swap3A_73 = arith.constant 0 : index
      %swap3A_74 = vector.load %arg8[%swap3A_72, %swap3A_73] : memref<2x128xf32, #tpu.memory_space<vmem>>, vector<2x128xf32>
      tpu.vector_store %arg8[%swap3A_72, %swap3A_73], %broadcast_in_dim3A_71 {strides = array<i32>} : memref<2x128xf32, #tpu.memory_space<vmem>>, vector<2x128xf32>,
    } else {
    }
    %reduce_sum3A = arith.constant dense<0.000000e+00> : vector<128xf32>
    %reduce_sum3A_58 = vector.multi_reduction <add>, %add3A_52, %reduce_sum3A [0] : vector<2000x128xf32> to vector<128xf32>
    %broadcast_in_dim3A = vector.shape_cast %reduce_sum3A_58 : vector<128xf32> to vector<1x128xf32>
    %mul3A_59 = arith.mulf %add3A_52, %add3A_52 : vector<2000x128xf32>
    %reduce_sum3A_60 = arith.constant dense<0.000000e+00> : vector<128xf32>
    %reduce_sum3A_61 = vector.multi_reduction <add>, %mul3A_59, %reduce_sum3A_60 [0] : vector<2000x128xf32> to vector<128xf32>
    %broadcast_in_dim3A_62 = vector.shape_cast %reduce_sum3A_61 : vector<128xf32> to vector<1x128xf32>
    %get3A_63 = arith.constant 0 : index
    %get3A_64 = arith.constant 0 : index
    %get3A_65 = vector.load %arg8[%get3A_63, %get3A_64] : memref<2x128xf32, #tpu.memory_space<vmem>>, vector<2x128xf32>
    %concatenate3A = tpu.concatenate %broadcast_in_dim3A, %broadcast_in_dim3A_62 in 0 : vector<1x128xf32>, vector<1x128xf32> -> vector<2x128xf32>
    %add3A_66 = arith.addf %get3A_65, %concatenate3A : vector<2x128xf32>
    %swap3A_67 = arith.constant 0 : index
    %swap3A_68 = arith.constant 0 : index
    %swap3A_69 = vector.load %arg8[%swap3A_67, %swap3A_68] : memref<2x128xf32, #tpu.memory_space<vmem>>, vector<2x128xf32>
    tpu.vector_store %arg8[%swap3A_67, %swap3A_68], %add3A_66 {strides = array<i32>} : memref<2x128xf32, #tpu.memory_space<vmem>>, vector<2x128xf32>,
    return
  }
  func.func @transform_0(%arg0: i32) -> (i32, i32) {
    %c0_i32 = arith.constant 0 : i32
    %c0_i32_0 = arith.constant 0 : i32
    return %arg0, %c0_i32 : i32, i32
  }
  func.func @transform_1(%arg0: i32) -> (i32, i32) {
    %c0_i32 = arith.constant 0 : i32
    %c0_i32_0 = arith.constant 0 : i32
    %c0_i32_1 = arith.constant 0 : i32
    return %c0_i32, %c0_i32_0 : i32, i32
  }
  func.func @transform_2(%arg0: i32) -> (i32, i32) {
    %c0_i32 = arith.constant 0 : i32
    %c0_i32_0 = arith.constant 0 : i32
    %c0_i32_1 = arith.constant 0 : i32
    return %c0_i32, %c0_i32_0 : i32, i32
  }
  func.func @transform_3(%arg0: i32) -> (i32, i32) {
    %c0_i32 = arith.constant 0 : i32
    %c0_i32_0 = arith.constant 0 : i32
    %c0_i32_1 = arith.constant 0 : i32
    return %c0_i32, %c0_i32_0 : i32, i32
  }
  func.func @transform_4(%arg0: i32) -> (i32, i32) {
    %c0_i32 = arith.constant 0 : i32
    %c0_i32_0 = arith.constant 0 : i32
    %c0_i32_1 = arith.constant 0 : i32
    return %c0_i32, %c0_i32_0 : i32, i32
  }
  func.func @transform_5(%arg0: i32) -> (i32, i32) {
    %c0_i32 = arith.constant 0 : i32
    %c0_i32_0 = arith.constant 0 : i32
    %c0_i32_1 = arith.constant 0 : i32
    return %c0_i32, %c0_i32_0 : i32, i32
  }
  func.func @transform_6(%arg0: i32) -> (i32, i32) {
    %c0_i32 = arith.constant 0 : i32
    %c0_i32_0 = arith.constant 0 : i32
    return %arg0, %c0_i32 : i32, i32
  }
  func.func @transform_7(%arg0: i32) -> (i32, i32) {
    %c0_i32 = arith.constant 0 : i32
    %c0_i32_0 = arith.constant 0 : i32
    %c0_i32_1 = arith.constant 0 : i32
    return %c0_i32, %c0_i32_0 : i32, i32
  }
}

module attributes {stable_mosaic.version = 14 : i64} {
  func.func @_stage_c3(%arg0: i32, %arg1: memref<2000x128xf32, #tpu.memory_space<vmem>>, %arg2: memref<2000x128xf32, #tpu.memory_space<vmem>>, %arg3: memref<2x128xf32, #tpu.memory_space<vmem>>, %arg4: memref<1x128xf32, #tpu.memory_space<vmem>>, %arg5: memref<1x128xf32, #tpu.memory_space<vmem>>, %arg6: memref<2000x128xf32, #tpu.memory_space<vmem>>) attributes {dimension_semantics = [#tpu.dimension_semantics<arbitrary>], iteration_bounds = array<i64: 5>, scalar_prefetch = 0 : i64, scratch_operands = 0 : i64, tpu.core_type = #tpu.core_type<tc>, window_params = [{transform_indices = @transform_0, window_bounds = array<i64: 2000, 128>}, {transform_indices = @transform_1, window_bounds = array<i64: 2000, 128>}, {pipeline_mode = #tpu.pipeline_mode<synchronous>, transform_indices = @transform_2, window_bounds = array<i64: 2, 128>}, {pipeline_mode = #tpu.pipeline_mode<synchronous>, transform_indices = @transform_3, window_bounds = array<i64: 1, 128>}, {pipeline_mode = #tpu.pipeline_mode<synchronous>, transform_indices = @transform_4, window_bounds = array<i64: 1, 128>}, {transform_indices = @transform_5, window_bounds = array<i64: 2000, 128>}]} {
    %get3A = arith.constant 0 : index
    %get3A_0 = arith.constant 0 : index
    %get3A_1 = vector.load %arg1[%get3A, %get3A_0] : memref<2000x128xf32, #tpu.memory_space<vmem>>, vector<2000x128xf32>
    %get3A_2 = arith.constant 0 : index
    %get3A_3 = arith.constant 0 : index
    %get3A_4 = vector.load %arg3[%get3A_2, %get3A_3] : memref<2x128xf32, #tpu.memory_space<vmem>>, vector<2x128xf32>
    %get3A_5 = arith.constant 0 : index
    %get3A_6 = arith.constant 0 : index
    %get3A_7 = vector.load %arg4[%get3A_5, %get3A_6] : memref<1x128xf32, #tpu.memory_space<vmem>>, vector<1x128xf32>
    %get3A_8 = arith.constant 0 : index
    %get3A_9 = arith.constant 0 : index
    %get3A_10 = vector.load %arg5[%get3A_8, %get3A_9] : memref<1x128xf32, #tpu.memory_space<vmem>>, vector<1x128xf32>
    %slice3A = vector.extract_strided_slice %get3A_4 {offsets = [0, 0], sizes = [1, 128], strides = [1, 1]} : vector<2x128xf32> to vector<1x128xf32>
    %mul3A = arith.constant 9.99999974E-5 : f32
    %mul3A_11 = vector.broadcast %mul3A : f32 to vector<1x128xf32>
    %mul3A_12 = arith.mulf %slice3A, %mul3A_11 : vector<1x128xf32>
    %slice3A_13 = vector.extract_strided_slice %get3A_4 {offsets = [1, 0], sizes = [1, 128], strides = [1, 1]} : vector<2x128xf32> to vector<1x128xf32>
    %mul3A_14 = arith.constant 9.99999974E-5 : f32
    %mul3A_15 = vector.broadcast %mul3A_14 : f32 to vector<1x128xf32>
    %mul3A_16 = arith.mulf %slice3A_13, %mul3A_15 : vector<1x128xf32>
    %mul3A_17 = arith.mulf %mul3A_12, %mul3A_12 : vector<1x128xf32>
    %sub3A = arith.subf %mul3A_16, %mul3A_17 : vector<1x128xf32>
    %sub3A_18 = vector.broadcast %mul3A_12 : vector<1x128xf32> to vector<2000x128xf32>
    %sub3A_19 = arith.subf %get3A_1, %sub3A_18 : vector<2000x128xf32>
    %mul3A_20 = vector.broadcast %get3A_7 : vector<1x128xf32> to vector<2000x128xf32>
    %mul3A_21 = arith.mulf %mul3A_20, %sub3A_19 : vector<2000x128xf32>
    %add3A = arith.constant 9.99999974E-6 : f32
    %add3A_22 = vector.broadcast %add3A : f32 to vector<1x128xf32>
    %add3A_23 = arith.addf %sub3A, %add3A_22 : vector<1x128xf32>
    %sqrt3A = math.sqrt %add3A_23 : vector<1x128xf32>
    %div3A = vector.broadcast %sqrt3A : vector<1x128xf32> to vector<2000x128xf32>
    %div3A_24 = arith.divf %mul3A_21, %div3A : vector<2000x128xf32>
    %add3A_25 = vector.broadcast %get3A_10 : vector<1x128xf32> to vector<2000x128xf32>
    %add3A_26 = arith.addf %div3A_24, %add3A_25 : vector<2000x128xf32>
    %get3A_27 = arith.constant 0 : index
    %get3A_28 = arith.constant 0 : index
    %get3A_29 = vector.load %arg2[%get3A_27, %get3A_28] : memref<2000x128xf32, #tpu.memory_space<vmem>>, vector<2000x128xf32>
    %add3A_30 = arith.addf %add3A_26, %get3A_29 : vector<2000x128xf32>
    %ge3A = arith.constant 0.000000e+00 : f32
    %ge3A_31 = vector.broadcast %ge3A : f32 to vector<2000x128xf32>
    %ge3A_32 = arith.cmpf oge, %add3A_30, %ge3A_31 : vector<2000x128xf32>
    %mul3A_33 = arith.constant 1.000000e-01 : f32
    %mul3A_34 = vector.broadcast %mul3A_33 : f32 to vector<2000x128xf32>
    %mul3A_35 = arith.mulf %mul3A_34, %add3A_30 : vector<2000x128xf32>
    %select_n3A = arith.select %ge3A_32, %add3A_30, %mul3A_35 : vector<2000x128xi1>, vector<2000x128xf32>
    %swap3A = arith.constant 0 : index
    %swap3A_36 = arith.constant 0 : index
    %swap3A_37 = vector.load %arg6[%swap3A, %swap3A_36] : memref<2000x128xf32, #tpu.memory_space<vmem>>, vector<2000x128xf32>
    tpu.vector_store %arg6[%swap3A, %swap3A_36], %select_n3A {strides = array<i32>} : memref<2000x128xf32, #tpu.memory_space<vmem>>, vector<2000x128xf32>,
    return
  }
  func.func @transform_0(%arg0: i32) -> (i32, i32) {
    %c0_i32 = arith.constant 0 : i32
    %c0_i32_0 = arith.constant 0 : i32
    return %arg0, %c0_i32 : i32, i32
  }
  func.func @transform_1(%arg0: i32) -> (i32, i32) {
    %c0_i32 = arith.constant 0 : i32
    %c0_i32_0 = arith.constant 0 : i32
    return %arg0, %c0_i32 : i32, i32
  }
  func.func @transform_2(%arg0: i32) -> (i32, i32) {
    %c0_i32 = arith.constant 0 : i32
    %c0_i32_0 = arith.constant 0 : i32
    %c0_i32_1 = arith.constant 0 : i32
    return %c0_i32, %c0_i32_0 : i32, i32
  }
  func.func @transform_3(%arg0: i32) -> (i32, i32) {
    %c0_i32 = arith.constant 0 : i32
    %c0_i32_0 = arith.constant 0 : i32
    %c0_i32_1 = arith.constant 0 : i32
    return %c0_i32, %c0_i32_0 : i32, i32
  }
  func.func @transform_4(%arg0: i32) -> (i32, i32) {
    %c0_i32 = arith.constant 0 : i32
    %c0_i32_0 = arith.constant 0 : i32
    %c0_i32_1 = arith.constant 0 : i32
    return %c0_i32, %c0_i32_0 : i32, i32
  }
  func.func @transform_5(%arg0: i32) -> (i32, i32) {
    %c0_i32 = arith.constant 0 : i32
    %c0_i32_0 = arith.constant 0 : i32
    return %arg0, %c0_i32 : i32, i32
  }
}

</mosaic_0001>

<sc_bundles>
// kernel: kernel.8.cloned.1.call-start
scs
__scs_entry_jumppad:
0x0: {  	(pc) =	sbr.rel $0x88, $3  }
0x1: {  	(tag) =	ssettag $0x0;
	lr =	simm.s32 $0x1  }
0x2: {  	[smem:$0x3F91] =	sst lr;
	_ =	strace $0xD0000000  }
0x3: {  	_ = 	snop  }
0x4: {  	_ = 	snop  }
0x5: {  	_ = 	snop  }
0x6: {  	_ = 	snop  }
0x7: {  	_ = 	snop  }
__scs_overlays_trampoline_lowered:
0x8: {  	[smem:$0x3FA0] =	sst s0  }
0x9: {  	[smem:$0x3FA1] =	sst s1  }
0xa: {  	[smem:$0x3FA2] =	sst s2  }
0xb: {  	[smem:$0x3FA3] =	sst s3  }
0xc: {  	[smem:$0x3FA4] =	sst s4  }
0xd: {  	[smem:$0x3FA5] =	sst s5  }
0xe: {  	[smem:$0x3FA6] =	sst s6  }
0xf: {  	[smem:$0x3FA7] =	sst s7  }
0x10: {  	[smem:$0x3FA8] =	sst s8  }
0x11: {  	[smem:$0x3FA9] =	sst s9;
	s0 =	simm.s32 @!p0 $0x0  }
0x12: {  	s1 =	sld [smem:$0x3F8F];
	s0 =	simm.s32 @p0 $0x1  }
0x13: {  	[smem:$0x3FAA] =	sst s0;
	s0 =	simm.s32 @!p1 $0x0  }
0x14: {  	s2 =	sld [smem:$0x3F8E];
	s0 =	simm.s32 @p1 $0x1  }
0x15: {  	[smem:$0x3FAB] =	sst s0;
	s0 =	simm.s32 @!p2 $0x0  }
0x16: {  	s3 =	sld [smem:$0x3FDB];
	s0 =	simm.s32 @p2 $0x1  }
0x17: {  	s4 =	simm.s32 $0x1BF5;
	[smem:$0x3FAD] =	sst s0  }
0x18: {  	s0 =	sld [smem:$0x3F90];
	_ =	swait.ge [sflag:s4], $0x0  }
0x19: {  	s7 =	sld [smem:$0x3F91]  }
0x1a: {  	s8 =	sadd.s32 $0xFFFFE003, lr  }
0x1b: {  	s9 =	sadd.s32 $0xFFFFFEF7, lr;
	s5 =	simm.s32 $0xFFFFFFFF;
	p2 =	slt.u32 s8, $0xFFFFF086  }
0x1c: {  	p1 =	slt.u32 s9, $0xF7A;
	s5 =	simm.s32 @!p2 $0x0  }
0x1d: {  	s5 =	simm.s32 @p1 $0x1;
	p0 =	seq.s32 s7, s2  }
0x1e: {  	s7 =	smul.u32 @!p0 $0xF7A, s2;
	p2 =	seq.s32 @!p0 s5, $0x0  }
0x1f: {  	s9 =	smul.u32 $0xF7A, s1;
	s8 =	simm.s32 @!p0 $0x1BF5;
	p2 =	por !p2, p0  }
0x20: {  	[sflag:s8] =	ssyncset.s32 @!p0 $0xFFFFF086;
	s6 =	sadd.s32 @!p0 s3, s7;
	s7 =	simm.s32 @!p0 $0x108  }
0x21: {  	s3 =	sadd.s32 s3, s9;
	s6 =	sadd.s32 @!p0 $0x88, s6;
	s7 =	simm.s32 @p2 $0x1082  }
0x22: {  	[simem:s7], [sflag:s8] =	dma.local @!p0 [hbm:s6], $0xF7A  }
0x23: {  	s9 =	sor.u32 $0xD0000000, s2;
	s6 =	simm.s32 $0x108;
	_ =	swait.ge @!p0 [sflag:s8], $0x0  }
0x24: {  	s3 =	sadd.s32 $0x88, s3;
	s6 =	simm.s32 @!p1 $0x1082;
	[sflag:s4] =	ssyncset.s32 $0xFFFFF086  }
0x25: {  	[simem:s6], [sflag:s4] =	dma.local [hbm:s3], $0xF7A  }
0x26: {  	[smem:$0x3F91] =	sst s1;
	(tag) =	ssettag s2;
	_ =	strace s9  }
0x27: {  	s1 =	sld [smem:$0x3FA1]  }
0x28: {  	s2 =	sld [smem:$0x3FA2]  }
0x29: {  	s4 =	sld [smem:$0x3FA4]  }
0x2a: {  	p0 =	seq.s32 s5, $0x0;
	s5 =	sld [smem:$0x3FA5]  }
0x2b: {  	s6 =	sld [smem:$0x3FA6]  }
0x2c: {  	s7 =	sld [smem:$0x3FA7]  }
0x2d: {  	s3 =	simm.s32 $0x108;
	s8 =	sld [smem:$0x3FA8]  }
0x2e: {  	s3 =	simm.s32 @!p0 $0x1082;
	s9 =	sld [smem:$0x3FA9]  }
0x2f: {  	lr =	sadd.s32 s0, s3;
	s0 =	sld [smem:$0x3FA0]  }
0x30: {  	s3 =	sld [smem:$0x3FA3]  }
0x31: {  	[smem:$0x3FAC] =	sst s10  }
0x32: {  	s10 =	sld [smem:$0x3FAA];
	_ =	sdelay $0x3  }
0x33: {  	p0 =	seq.s32 s10, $0x1;
	s10 =	sld [smem:$0x3FAC];
	_ =	sdelay $0x3  }
0x34: {  	[smem:$0x3FAC] =	sst s10  }
0x35: {  	s10 =	sld [smem:$0x3FAB];
	_ =	sdelay $0x3  }
0x36: {  	p1 =	seq.s32 s10, $0x1;
	s10 =	sld [smem:$0x3FAC];
	_ =	sdelay $0x3  }
0x37: {  	[smem:$0x3FAC] =	sst s10  }
0x38: {  	s10 =	sld [smem:$0x3FAD]  }
0x39: {  	_ = 	snop;
	(pc) =	sbr.ind lr, $3  }
0x3a: {  	_ = 	snop  }
0x3b: {  	_ = 	snop  }
0x3c: {  	p2 =	seq.s32 s10, $0x1;
	s10 =	sld [smem:$0x3FAC]  }
0x3d: {  	_ =	shalt  }
0x3e: {  	_ =	shalt  }
0x3f: {  	_ =	shalt  }
0x40: {  	_ =	shalt  }
0x41: {  	_ =	shalt  }
0x42: {  	_ =	shalt  }
0x43: {  	_ =	shalt  }
0x44: {  	_ =	shalt  }
0x45: {  	_ =	shalt  }
0x46: {  	_ =	shalt  }
0x47: {  	_ =	shalt  }
0x48: {  	_ =	shalt  }
0x49: {  	_ =	shalt  }
0x4a: {  	_ =	shalt  }
0x4b: {  	_ =	shalt  }
0x4c: {  	_ =	shalt  }
0x4d: {  	_ =	shalt  }
0x4e: {  	_ =	shalt  }
0x4f: {  	_ =	shalt  }
0x50: {  	_ =	shalt  }
0x51: {  	_ =	shalt  }
0x52: {  	_ =	shalt  }
0x53: {  	_ =	shalt  }
0x54: {  	_ =	shalt  }
0x55: {  	_ =	shalt  }
0x56: {  	_ =	shalt  }
0x57: {  	_ =	shalt  }
0x58: {  	_ =	shalt  }
0x59: {  	_ =	shalt  }
0x5a: {  	_ =	shalt  }
0x5b: {  	_ =	shalt  }
0x5c: {  	_ =	shalt  }
0x5d: {  	_ =	shalt  }
0x5e: {  	_ =	shalt  }
0x5f: {  	_ =	shalt  }
0x60: {  	_ =	shalt  }
0x61: {  	_ =	shalt  }
0x62: {  	_ =	shalt  }
0x63: {  	_ =	shalt  }
0x64: {  	_ =	shalt  }
0x65: {  	_ =	shalt  }
0x66: {  	_ =	shalt  }
0x67: {  	_ =	shalt  }
0x68: {  	_ =	shalt  }
0x69: {  	_ =	shalt  }
0x6a: {  	_ =	shalt  }
0x6b: {  	_ =	shalt  }
0x6c: {  	_ =	shalt  }
0x6d: {  	_ =	shalt  }
0x6e: {  	_ =	shalt  }
0x6f: {  	_ =	shalt  }
0x70: {  	_ =	shalt  }
0x71: {  	_ =	shalt  }
0x72: {  	_ =	shalt  }
0x73: {  	_ =	shalt  }
0x74: {  	_ =	shalt  }
0x75: {  	_ =	shalt  }
0x76: {  	_ =	shalt  }
0x77: {  	_ =	shalt  }
0x78: {  	_ =	shalt  }
0x79: {  	_ =	shalt  }
0x7a: {  	_ =	shalt  }
0x7b: {  	_ =	shalt  }
0x7c: {  	_ =	shalt  }
0x7d: {  	_ =	shalt  }
0x7e: {  	_ =	shalt  }
0x7f: {  	_ =	shalt  }
0x80: {  	_ =	shalt  }
0x81: {  	_ =	shalt  }
0x82: {  	_ =	shalt  }
0x83: {  	_ =	shalt  }
0x84: {  	_ =	shalt  }
0x85: {  	_ =	shalt  }
0x86: {  	_ =	shalt  }
0x87: {  	_ =	shalt  }
.Lfunc_end0:
.L_simem_size_0:
called_computation_lowered:
.L_overlay_start_0:
0x88: {  	s2 =	sld [smem:$0x3FD9]  }
0x89: {  	s3 =	sld [smem:$0x3FFE];
	_ =	sdelay $0x1  }
0x8a: {  	s1 =	srdreg.scid  }
0x8b: {  	s0 =	sand.u32 $0x1, s1  }
0x8c: {  	s14 =	sshll.u32 s0, $0xA;
	s2 =	sadd.s32 s3, s2  }
0x8d: {  	s2 =	sadd.s32 s2, s14  }
0x8e: {  	[smem:$0x3FB8] =	sst s2  }
0x8f: {  	_ = 	snop  }
0x90: {  	s2 =	sld [smem:$0x3FD0];
	_ =	sdelay $0x2  }
0x91: {  	s15 =	simm.s32 $0xA;
	s4 =	simm.s32 $0x10  }
0x92: {  	[smem:s4], [sflag:s15] =	dma.local [hbm:s2], $0x1  }
0x93: {  	_ =	swait.eq [sflag:s15], $0x1  }
0x94: {  	[sflag:s15] =	ssyncset.done $0x0  }
0x95: {  	[sflag:s15] =	ssyncadd.s32 $0xFFFFFFFF  }
0x96: {  	s16 =	sld [smem:$0x10];
	(tm) =	ssettm $0x1  }
0x97: {  	s17 =	sld [smem:$0x3FFB];
	_ =	sdelay $0x3  }
0x98: {  	_ =	strace s17  }
0x99: {  	s3 =	sld [smem:$0x3FFC];
	_ =	sdelay $0x3  }
0x9a: {  	_ =	strace s3  }
0x9b: {  	s3 =	sld [smem:$0x3FFD];
	_ =	sdelay $0x3  }
0x9c: {  	_ =	strace s3  }
0x9d: {  	_ =	strace $0x8FFFFFFF  }
0x9e: {  	s18 =	sld [smem:$0x3FDB];
	_ =	sdelay $0x1  }
0x9f: {  	s19 =	simm.s32 $_scs_section_size  }
0xa0: {  	s5 =	simm.s32 $_size__tile_overlayer_lowered;
	s6 =	simm.s32 $_tile_overlayer_lowered  }
0xa1: {  	s22 =	simm.s32 $0x1BFF;
	s21 =	sshll.u32 s6, $0x1;
	s3 =	sadd.s32 s19, s18  }
0xa2: {  	s7 =	simm.s32 $0x0;
	s20 =	sshll.u32 s5, $0x1;
	s5 =	sadd.s32 s21, s3  }
0xa3: {  	[timem:s7], [sflag:s22] =	dma.local [hbm:s5], s20  }
0xa4: {  	_ =	swait.ge [sflag:s22], s20  }
0xa5: {  	s4 =	ssub.s32 $0x0, s20;
	[sflag:s22] =	ssyncset.done $0x0  }
0xa6: {  	[sflag:s22] =	ssyncadd.s32 s4;
	_ =	sdelay $0x1  }
0xa7: {  	s23 =	simm.s32 $0x1B8B  }
0xa8: {  	_ =	swait.ge [sflag:s23], $0x1  }
0xa9: {  	[sflag:s23] =	ssyncset.done $0x0  }
0xaa: {  	s25 =	simm.s32 $0x1B8E;
	s24 =	sld [smem:$0x3FFE];
	[sflag:s23] =	ssyncadd.s32 $0xFFFFFFFF  }
0xab: {  	s26 =	simm.s32 $execute0_lowered;
	[smem:$0x3FD2] =	sst s25  }
0xac: {  	s5 =	sshll.u32 s26, $0x1;
	_ =	strace $0x80000046;
	[dreg:$0x1] =	wrdreg $0xFFFFFFFF  }
0xad: {  	s28 =	simm.s32 $_size_execute0_lowered;
	s3 =	sadd.s32 s3, s5;
	[dreg:$0x0] =	wrdreg $0x0  }
0xae: {  	s5 =	sshll.u32 s28, $0x1;
	[dreg:$0x2] =	wrdreg s3  }
0xaf: {  	[dreg:$0x3] =	wrdreg s5  }
0xb0: {  	[dreg:$0x4] =	wrdreg $0xC0  }
0xb1: {  	_ =	task [dreg:s7], $0x5FFFF  }
0xb2: {  	[dreg:$0x1] =	wrdreg $0xFFFFFFFF  }
0xb3: {  	[dreg:$0x0] =	wrdreg $0x60  }
0xb4: {  	[dreg:$0x2] =	wrdreg s24  }
0xb5: {  	[dreg:$0x3] =	wrdreg s16  }
0xb6: {  	[dreg:$0x4] =	wrdreg $0x10CC00  }
0xb7: {  	[dreg:$0x5] =	wrdreg $0x9  }
0xb8: {  	_ =	task.clear_ibuf [dreg:s7], $0x6FFFF;
	_ =	strace $0x90000046  }
0xb9: {  	s29 =	simm.s32 $0x9;
	_ =	strace $0x80000048  }
0xba: {  	_ =	swait.ge [sflag:s29], $0x1  }
0xbb: {  	[sflag:s29] =	ssyncadd.s32 $0xFFFFFFFF  }
0xbc: {  	_ =	strace $0x90000048  }
0xbd: {  	_ =	sfence  }
0xbe: {  	s30 =	sld [smem:$0x0];
	_ =	sdelay $0x2  }
0xbf: {  	s31 =	sshll.u32 s1, $0xD;
	s1 =	sshrl.u32 s1, $0x2  }
0xc0: {  	s3 =	sand.u32 $0x4000, s31;
	s1 =	sadd.s32 s1, s30  }
0xc1: {  	s0 =	sor.u32 s3, s0;
	s1 =	sshll.u32 s1, $0x11  }
0xc2: {  	s0 =	sor.u32 s1, s0  }
0xc3: {  	s0 =	sadd.s32 $0x8F2B, s0  }
0xc4: {  	[sflag:s0] =	ssyncadd.remote.s32 $0x1  }
0xc5: {  	_ =	sfence.sel $0xFFFF  }
0xc6: {  	[dreg:$0x0] =	wrdreg $0xFFFFFFFF;
	(pc) =	sbr.abs _section_cstart, $3  }
0xc7: {  	[dreg:$0x1] =	wrdreg $0xFFFFFFFF  }
0xc8: {  	_ =	task.clear_ibuf [dreg:s7], $0x2FFFF;
	_ =	strace $0x9FFFFFFF  }
0xc9: {  	(tm) =	ssettm $0x7FFFFFFF  }
tec
execute0_lowered:
.L_overlay_start_1:
0x0: {  	(tag) =	ssettag $0x1  }
0x1: {  	s0 =	srdreg.scid;
	s1 =	rddreg [dreg:$0x0]  }
0x2: {  	s3 =	rddreg [dreg:$0x1];
	s10 =	stileid.u32  }
0x3: {  	s2 =	rddreg [dreg:$0x2];
	s6 =	simm.s32 $0x0;
	s20 =	simm.s32 $0x15  }
0x4: {  	s14 =	simm.s32 $0x64;
	s13 =	simm.s32 $0x9;
	s11 =	simm.s32 $0x11  }
0x5: {  	s12 =	simm.s32 $0x12;
	s15 =	simm.s32 $0x13;
	s16 =	simm.s32 $0x14  }
0x6: {  	s21 =	simm.s32 $0x0;
	s30 =	simm.s32 $0xE740;
	s31 =	simm.s32 $0xFA00  }
0x7: {  	s0 =	sand.u32 $0x1, s0;
	[smem:$0x7FF] =	sst s6;
	s24 =	smul.u32 $0x1D4C0, s10  }
0x8: {  	s9 =	smul.u32 $0x7530, s10;
	s26 =	sshll.u32 s10, $0x6;
	s4 =	sshll.u32 s0, $0x4  }
0x9: {  	_ =	strace $0x80000047;
	s7 =	ssub.s32 $0x2, s0;
	s0 =	smul.u32 $0x75300, s0  }
0xa: {  	s18 =	sor.u32 $0x1C15, s26;
	s4 =	sor.u32 s10, s4;
	s8 =	sshrl.u32 s7, $0x1  }
0xb: {  	s6 =	sshrl.u32 s24, $0x2;
	s10 =	simm.s32 $0xF;
	[dreg:$0x5] =	wrdreg s18  }
0xc: {  	s5 =	smul.u32 $0x514, s4;
	s4 =	sadd.s32 $0x2400, s1;
	s25 =	ssub.s32 s7, s8  }
0xd: {  	s0 =	sadd.s32 s9, s0;
	s6 =	sadd.s32 s6, s2;
	s7 =	simm.s32 $0xC  }
0xe: {  	s8 =	simm.s32 $0xD;
	s9 =	simm.s32 $0xE;
	s29 =	smax.u32 s25, $0x1  }
0xf: {  	s0 =	sshrl.u32 s0, $0x3;
	s19 =	sshrl.u32 s6, $0x3;
	[dreg:$0x9] =	wrdreg s29  }
0x10: {  	s5 =	sadd.s32 s5, s1;
	s1 =	sadd.s32 $0x25800, s1;
	[dreg:$0xa] =	wrdreg s19  }
0x11: {  	s6 =	simm.s32 $0x10;
	s0 =	sadd.s32 s3, s0;
	[dreg:$0x4] =	wrdreg s1  }
0x12: {  	s3 =	simm.s32 $0xA;
	s28 =	sadd.s32 $0x1B400, s5;
	[dreg:$0x8] =	wrdreg s0  }
0x13: {  	s5 =	sadd.s32 $0x11000, s5;
	s1 =	simm.s32 $0x7;
	[dreg:$0x6] =	wrdreg s28  }
0x14: {  	s0 =	simm.s32 $0x8;
	[dreg:$0x7] =	wrdreg s5;
	s5 =	simm.s32 $0xB  }
.LBB2_1:
0x15: {  	[dreg:$0xb] =	wrdreg s21  }
0x16: {  	s17 =	rddreg [dreg:$0x4]  }
0x17: {  	[spmem:s19], [sflag:s18] =	dma.local [hbm:s17], $0xEA6  }
0x18: {  	_ =	swait.ge [sflag:s20], $0xEA6  }
0x19: {  	[sflag:s20] =	ssyncset.done $0x0  }
0x1a: {  	s25 =	simm.s32 $0x0;
	s26 =	rddreg [dreg:$0x6];
	[sflag:s20] =	ssyncadd.s32 $0xFFFFF15A  }
0x1b: {  	[tilespmem:s25], [sflag:$0x15] =	stream.linear.gather [hbm4b:s26+s25], $0x28A0, $0x38;
	[tilespmem:$0x181F0] =	vst v63  }
0x1c: {  	_ =	swait.ge [sflag:s20], $0x28A0  }
0x1d: {  	[sflag:s20] =	ssyncset.done $0x0  }
0x1e: {  	s29 =	simm.s32 $0x28A0;
	s28 =	rddreg [dreg:$0x7];
	[sflag:s20] =	ssyncadd.s32 $0xFFFFD760  }
0x1f: {  	[tilespmem:s29], [sflag:$0x15] =	stream.linear.gather [hbm4b:s28+s25], $0x28A0, $0x38;
	[tilespmem:$0x181F0] =	vst v63  }
0x20: {  	_ =	swait.ge [sflag:s20], $0x28A0  }
0x21: {  	[sflag:s20] =	ssyncset.done $0x0  }
0x22: {  	[sflag:s20] =	ssyncadd.s32 $0xFFFFD760  }
0x23: {  	s19 =	simm.s32 $0x0;
	s18 =	simm.s32 $0x5140;
	[bflag:$0x0] =	sbarrier.arrive $0xFFFF  }
0x24: {  	[tilespmem:s18], [sflag:$0x1] =	stream.indirect.gather [hbm4b:s4+s14], $0x30, s19, s14, $0xb8;
	[tilespmem:$0x181F0] =	vst v63  }
0x25: {  	s20 =	simm.s32 $0x68;
	s19 =	simm.s32 $0x6400  }
0x26: {  	[tilespmem:s19], [sflag:$0x2] =	stream.indirect.gather [hbm4b:s4+s14], $0x30, s20, s14, $0xb8;
	[tilespmem:$0x181F0] =	vst v63  }
0x27: {  	s21 =	simm.s32 $0xD0;
	s20 =	simm.s32 $0x76C0  }
0x28: {  	[tilespmem:s20], [sflag:$0x3] =	stream.indirect.gather [hbm4b:s4+s14], $0x30, s21, s14, $0xb8;
	[tilespmem:$0x181F0] =	vst v63  }
0x29: {  	s22 =	simm.s32 $0x138;
	s21 =	simm.s32 $0x8980  }
0x2a: {  	[tilespmem:s21], [sflag:$0x4] =	stream.indirect.gather [hbm4b:s4+s14], $0x30, s22, s14, $0xb8;
	[tilespmem:$0x181F0] =	vst v63  }
0x2b: {  	s23 =	simm.s32 $0x1A0;
	s22 =	simm.s32 $0x9C40  }
0x2c: {  	[tilespmem:s22], [sflag:$0x5] =	stream.indirect.gather [hbm4b:s4+s14], $0x30, s23, s14, $0xb8;
	[tilespmem:$0x181F0] =	vst v63  }
0x2d: {  	s24 =	simm.s32 $0x208;
	s23 =	simm.s32 $0xAF00  }
0x2e: {  	[tilespmem:s23], [sflag:$0x6] =	stream.indirect.gather [hbm4b:s4+s14], $0x30, s24, s14, $0xb8;
	[tilespmem:$0x181F0] =	vst v63  }
0x2f: {  	s25 =	simm.s32 $0x270;
	s24 =	simm.s32 $0xC1C0  }
0x30: {  	[tilespmem:s24], [sflag:$0x7] =	stream.indirect.gather [hbm4b:s4+s14], $0x30, s25, s14, $0xb8;
	[tilespmem:$0x181F0] =	vst v63  }
0x31: {  	s26 =	simm.s32 $0x2D8;
	s25 =	simm.s32 $0xD480  }
0x32: {  	[tilespmem:s25], [sflag:$0x8] =	stream.indirect.gather [hbm4b:s4+s14], $0x30, s26, s14, $0xb8;
	[tilespmem:$0x181F0] =	vst v63  }
0x33: {  	s28 =	simm.s32 $0x340;
	s26 =	simm.s32 $0xE740  }
0x34: {  	[tilespmem:s26], [sflag:$0x9] =	stream.indirect.gather [hbm4b:s4+s14], $0x30, s28, s14, $0xb8;
	[tilespmem:$0x181F0] =	vst v63  }
0x35: {  	s29 =	simm.s32 $0x3A8;
	s28 =	simm.s32 $0xFA00  }
0x36: {  	[tilespmem:s28], [sflag:$0xA] =	stream.indirect.gather [hbm4b:s4+s14], $0x30, s29, s14, $0xb8;
	[tilespmem:$0x181F0] =	vst v63  }
0x37: {  	s29 =	simm.s32 $0x1  }
0x38: {  	_ =	swait.ge [sflag:s29], $0x12C0  }
0x39: {  	[sflag:s29] =	ssyncset.done $0x0  }
0x3a: {  	[sflag:s29] =	ssyncadd.s32 $0xFFFFED40;
	s29 =	simm.s32 $0x28A0  }
0x3b: {  	[spmem:s2] =	stream.indirect.scatter.add.f32 [tilespmem:s18], [sflag:$0xB], $0x30, s29, s14, $0xb8;
	[tilespmem:$0x181F0] =	vst v63  }
0x3c: {  	s18 =	simm.s32 $0x2  }
0x3d: {  	_ =	swait.ge [sflag:s18], $0x12C0  }
0x3e: {  	[sflag:s18] =	ssyncset.done $0x0  }
0x3f: {  	s29 =	simm.s32 $0x2908;
	[sflag:s18] =	ssyncadd.s32 $0xFFFFED40;
	s18 =	simm.s32 $0x3  }
0x40: {  	[spmem:s2] =	stream.indirect.scatter.add.f32 [tilespmem:s19], [sflag:$0xC], $0x30, s29, s14, $0xb8;
	[tilespmem:$0x181F0] =	vst v63  }
0x41: {  	_ =	swait.ge [sflag:s18], $0x12C0  }
0x42: {  	[sflag:s18] =	ssyncset.done $0x0  }
0x43: {  	s19 =	simm.s32 $0x2970;
	s29 =	simm.s32 $0x4;
	[sflag:s18] =	ssyncadd.s32 $0xFFFFED40  }
0x44: {  	[spmem:s2] =	stream.indirect.scatter.add.f32 [tilespmem:s20], [sflag:$0xD], $0x30, s19, s14, $0xb8;
	[tilespmem:$0x181F0] =	vst v63  }
0x45: {  	_ =	swait.ge [sflag:s29], $0x12C0  }
0x46: {  	[sflag:s29] =	ssyncset.done $0x0  }
0x47: {  	s18 =	simm.s32 $0x29D8;
	s19 =	simm.s32 $0x5;
	[sflag:s29] =	ssyncadd.s32 $0xFFFFED40  }
0x48: {  	[spmem:s2] =	stream.indirect.scatter.add.f32 [tilespmem:s21], [sflag:$0xE], $0x30, s18, s14, $0xb8;
	[tilespmem:$0x181F0] =	vst v63  }
0x49: {  	_ =	swait.ge [sflag:s19], $0x12C0  }
0x4a: {  	[sflag:s19] =	ssyncset.done $0x0  }
0x4b: {  	s20 =	simm.s32 $0x2A40;
	s21 =	simm.s32 $0x6;
	[sflag:s19] =	ssyncadd.s32 $0xFFFFED40  }
0x4c: {  	[spmem:s2] =	stream.indirect.scatter.add.f32 [tilespmem:s22], [sflag:$0xF], $0x30, s20, s14, $0xb8;
	[tilespmem:$0x181F0] =	vst v63  }
0x4d: {  	_ =	swait.ge [sflag:s21], $0x12C0  }
0x4e: {  	[sflag:s21] =	ssyncset.done $0x0  }
0x4f: {  	s22 =	simm.s32 $0x2AA8;
	[sflag:s21] =	ssyncadd.s32 $0xFFFFED40  }
0x50: {  	[spmem:s2] =	stream.indirect.scatter.add.f32 [tilespmem:s23], [sflag:$0x10], $0x30, s22, s14, $0xb8;
	[tilespmem:$0x181F0] =	vst v63  }
0x51: {  	_ =	swait.ge [sflag:s1], $0x12C0  }
0x52: {  	[sflag:s1] =	ssyncset.done $0x0  }
0x53: {  	s23 =	simm.s32 $0x2B10;
	[sflag:s1] =	ssyncadd.s32 $0xFFFFED40  }
0x54: {  	[spmem:s2] =	stream.indirect.scatter.add.f32 [tilespmem:s24], [sflag:$0x11], $0x30, s23, s14, $0xb8;
	[tilespmem:$0x181F0] =	vst v63  }
0x55: {  	_ =	swait.ge [sflag:s0], $0x12C0  }
0x56: {  	[sflag:s0] =	ssyncset.done $0x0  }
0x57: {  	s24 =	simm.s32 $0x2B78;
	[sflag:s0] =	ssyncadd.s32 $0xFFFFED40  }
0x58: {  	[spmem:s2] =	stream.indirect.scatter.add.f32 [tilespmem:s25], [sflag:$0x12], $0x30, s24, s14, $0xb8;
	[tilespmem:$0x181F0] =	vst v63  }
0x59: {  	_ =	swait.ge [sflag:s13], $0x12C0  }
0x5a: {  	[sflag:s13] =	ssyncset.done $0x0  }
0x5b: {  	s25 =	simm.s32 $0x2BE0;
	[sflag:s13] =	ssyncadd.s32 $0xFFFFED40  }
0x5c: {  	[spmem:s2] =	stream.indirect.scatter.add.f32 [tilespmem:s26], [sflag:$0x13], $0x30, s25, s14, $0xb8;
	[tilespmem:$0x181F0] =	vst v63  }
0x5d: {  	_ =	swait.ge [sflag:s3], $0x12C0  }
0x5e: {  	[sflag:s3] =	ssyncset.done $0x0  }
0x5f: {  	s29 =	simm.s32 $0x2C48;
	[sflag:s3] =	ssyncadd.s32 $0xFFFFED40  }
0x60: {  	[spmem:s2] =	stream.indirect.scatter.add.f32 [tilespmem:s28], [sflag:$0x14], $0x30, s29, s14, $0xb8;
	[tilespmem:$0x181F0] =	vst v63  }
0x61: {  	_ =	swait.ge [sflag:s5], $0x12C0  }
0x62: {  	[sflag:s5] =	ssyncset.done $0x0  }
0x63: {  	[sflag:s5] =	ssyncadd.s32 $0xFFFFED40  }
0x64: {  	_ =	swait.ge [sflag:s7], $0x12C0  }
0x65: {  	[sflag:s7] =	ssyncset.done $0x0  }
0x66: {  	[sflag:s7] =	ssyncadd.s32 $0xFFFFED40  }
0x67: {  	_ =	swait.ge [sflag:s8], $0x12C0  }
0x68: {  	[sflag:s8] =	ssyncset.done $0x0  }
0x69: {  	[sflag:s8] =	ssyncadd.s32 $0xFFFFED40  }
0x6a: {  	_ =	swait.ge [sflag:s9], $0x12C0  }
0x6b: {  	[sflag:s9] =	ssyncset.done $0x0  }
0x6c: {  	[sflag:s9] =	ssyncadd.s32 $0xFFFFED40  }
0x6d: {  	_ =	swait.ge [sflag:s10], $0x12C0  }
0x6e: {  	[sflag:s10] =	ssyncset.done $0x0  }
0x6f: {  	[sflag:s10] =	ssyncadd.s32 $0xFFFFED40  }
0x70: {  	_ =	swait.ge [sflag:s6], $0x12C0  }
0x71: {  	[sflag:s6] =	ssyncset.done $0x0  }
0x72: {  	[sflag:s6] =	ssyncadd.s32 $0xFFFFED40  }
0x73: {  	_ =	swait.ge [sflag:s11], $0x12C0  }
0x74: {  	[sflag:s11] =	ssyncset.done $0x0  }
0x75: {  	[sflag:s11] =	ssyncadd.s32 $0xFFFFED40  }
0x76: {  	_ =	swait.ge [sflag:s12], $0x12C0  }
0x77: {  	[sflag:s12] =	ssyncset.done $0x0  }
0x78: {  	[sflag:s12] =	ssyncadd.s32 $0xFFFFED40  }
0x79: {  	_ =	swait.ge [sflag:s15], $0x12C0  }
0x7a: {  	[sflag:s15] =	ssyncset.done $0x0  }
0x7b: {  	[sflag:s15] =	ssyncadd.s32 $0xFFFFED40  }
0x7c: {  	_ =	swait.ge [sflag:s16], $0x12C0  }
0x7d: {  	s17 =	simm.s32 $0x1040;
	s18 =	simm.s32 $0x2080;
	[sflag:s16] =	ssyncset.done $0x0  }
.LBB2_2:
0x7e: {  	s19 =	sshra.s32 s17, $0x2;
	[sflag:s16] =	ssyncadd.s32 $0xFFFFED40  }
0x7f: {  	s17 =	smov.u32 s18;
	s20 =	sadd.s32 $0x1040, s18;
	s21 =	simm.s32 $0x5140  }
0x80: {  	[tilespmem:s21], [sflag:$0x1] =	stream.indirect.gather [hbm4b:s4+s14], $0x30, s19, s14, $0xb8;
	[tilespmem:$0x181F0] =	vst v63  }
0x81: {  	p0 =	sne.s32 s18, $0x9240;
	s22 =	simm.s32 $0x6400;
	s18 =	sadd.s32 $0x68, s19  }
0x82: {  	[tilespmem:s22], [sflag:$0x2] =	stream.indirect.gather [hbm4b:s4+s14], $0x30, s18, s14, $0xb8;
	[tilespmem:$0x181F0] =	vst v63  }
0x83: {  	s23 =	simm.s32 $0x76C0;
	s18 =	sadd.s32 $0xD0, s19  }
0x84: {  	[tilespmem:s23], [sflag:$0x3] =	stream.indirect.gather [hbm4b:s4+s14], $0x30, s18, s14, $0xb8;
	[tilespmem:$0x181F0] =	vst v63  }
0x85: {  	s24 =	simm.s32 $0x8980;
	s18 =	sadd.s32 $0x138, s19  }
0x86: {  	[tilespmem:s24], [sflag:$0x4] =	stream.indirect.gather [hbm4b:s4+s14], $0x30, s18, s14, $0xb8;
	[tilespmem:$0x181F0] =	vst v63  }
0x87: {  	s25 =	simm.s32 $0x9C40;
	s18 =	sadd.s32 $0x1A0, s19  }
0x88: {  	[tilespmem:s25], [sflag:$0x5] =	stream.indirect.gather [hbm4b:s4+s14], $0x30, s18, s14, $0xb8;
	[tilespmem:$0x181F0] =	vst v63  }
0x89: {  	s26 =	simm.s32 $0xAF00;
	s18 =	sadd.s32 $0x208, s19  }
0x8a: {  	[tilespmem:s26], [sflag:$0x6] =	stream.indirect.gather [hbm4b:s4+s14], $0x30, s18, s14, $0xb8;
	[tilespmem:$0x181F0] =	vst v63  }
0x8b: {  	s28 =	simm.s32 $0xC1C0;
	s18 =	sadd.s32 $0x270, s19  }
0x8c: {  	[tilespmem:s28], [sflag:$0x7] =	stream.indirect.gather [hbm4b:s4+s14], $0x30, s18, s14, $0xb8;
	[tilespmem:$0x181F0] =	vst v63  }
0x8d: {  	s29 =	simm.s32 $0xD480;
	s18 =	sadd.s32 $0x2D8, s19  }
0x8e: {  	[tilespmem:s29], [sflag:$0x8] =	stream.indirect.gather [hbm4b:s4+s14], $0x30, s18, s14, $0xb8;
	[tilespmem:$0x181F0] =	vst v63  }
0x8f: {  	s18 =	sadd.s32 $0x340, s19  }
0x90: {  	[tilespmem:s30], [sflag:$0x9] =	stream.indirect.gather [hbm4b:s4+s14], $0x30, s18, s14, $0xb8;
	[tilespmem:$0x181F0] =	vst v63  }
0x91: {  	s18 =	sadd.s32 $0x3A8, s19  }
0x92: {  	[tilespmem:s31], [sflag:$0xA] =	stream.indirect.gather [hbm4b:s4+s14], $0x30, s18, s14, $0xb8;
	[tilespmem:$0x181F0] =	vst v63  }
0x93: {  	s18 =	simm.s32 $0x1  }
0x94: {  	_ =	swait.ge [sflag:s18], $0x12C0  }
0x95: {  	[sflag:s18] =	ssyncset.done $0x0  }
0x96: {  	[sflag:s18] =	ssyncadd.s32 $0xFFFFED40;
	s18 =	sadd.s32 $0x28A0, s19  }
0x97: {  	[spmem:s2] =	stream.indirect.scatter.add.f32 [tilespmem:s21], [sflag:$0xB], $0x30, s18, s14, $0xb8;
	[tilespmem:$0x181F0] =	vst v63  }
0x98: {  	s18 =	simm.s32 $0x2  }
0x99: {  	_ =	swait.ge [sflag:s18], $0x12C0  }
0x9a: {  	[sflag:s18] =	ssyncset.done $0x0  }
0x9b: {  	[sflag:s18] =	ssyncadd.s32 $0xFFFFED40;
	s18 =	sadd.s32 $0x2908, s19  }
0x9c: {  	[spmem:s2] =	stream.indirect.scatter.add.f32 [tilespmem:s22], [sflag:$0xC], $0x30, s18, s14, $0xb8;
	[tilespmem:$0x181F0] =	vst v63  }
0x9d: {  	s18 =	simm.s32 $0x3  }
0x9e: {  	_ =	swait.ge [sflag:s18], $0x12C0  }
0x9f: {  	[sflag:s18] =	ssyncset.done $0x0  }
0xa0: {  	[sflag:s18] =	ssyncadd.s32 $0xFFFFED40;
	s18 =	sadd.s32 $0x2970, s19  }
0xa1: {  	[spmem:s2] =	stream.indirect.scatter.add.f32 [tilespmem:s23], [sflag:$0xD], $0x30, s18, s14, $0xb8;
	[tilespmem:$0x181F0] =	vst v63  }
0xa2: {  	s18 =	simm.s32 $0x4  }
0xa3: {  	_ =	swait.ge [sflag:s18], $0x12C0  }
0xa4: {  	[sflag:s18] =	ssyncset.done $0x0  }
0xa5: {  	[sflag:s18] =	ssyncadd.s32 $0xFFFFED40;
	s18 =	sadd.s32 $0x29D8, s19  }
0xa6: {  	[spmem:s2] =	stream.indirect.scatter.add.f32 [tilespmem:s24], [sflag:$0xE], $0x30, s18, s14, $0xb8;
	[tilespmem:$0x181F0] =	vst v63  }
0xa7: {  	s18 =	simm.s32 $0x5  }
0xa8: {  	_ =	swait.ge [sflag:s18], $0x12C0  }
0xa9: {  	[sflag:s18] =	ssyncset.done $0x0  }
0xaa: {  	[sflag:s18] =	ssyncadd.s32 $0xFFFFED40;
	s18 =	sadd.s32 $0x2A40, s19  }
0xab: {  	[spmem:s2] =	stream.indirect.scatter.add.f32 [tilespmem:s25], [sflag:$0xF], $0x30, s18, s14, $0xb8;
	[tilespmem:$0x181F0] =	vst v63  }
0xac: {  	s18 =	simm.s32 $0x6  }
0xad: {  	_ =	swait.ge [sflag:s18], $0x12C0  }
0xae: {  	[sflag:s18] =	ssyncset.done $0x0  }
0xaf: {  	[sflag:s18] =	ssyncadd.s32 $0xFFFFED40;
	s18 =	sadd.s32 $0x2AA8, s19  }
0xb0: {  	[spmem:s2] =	stream.indirect.scatter.add.f32 [tilespmem:s26], [sflag:$0x10], $0x30, s18, s14, $0xb8;
	[tilespmem:$0x181F0] =	vst v63  }
0xb1: {  	_ =	swait.ge [sflag:s1], $0x12C0  }
0xb2: {  	[sflag:s1] =	ssyncset.done $0x0  }
0xb3: {  	s18 =	sadd.s32 $0x2B10, s19;
	[sflag:s1] =	ssyncadd.s32 $0xFFFFED40  }
0xb4: {  	[spmem:s2] =	stream.indirect.scatter.add.f32 [tilespmem:s28], [sflag:$0x11], $0x30, s18, s14, $0xb8;
	[tilespmem:$0x181F0] =	vst v63  }
0xb5: {  	_ =	swait.ge [sflag:s0], $0x12C0  }
0xb6: {  	[sflag:s0] =	ssyncset.done $0x0  }
0xb7: {  	s18 =	sadd.s32 $0x2B78, s19;
	[sflag:s0] =	ssyncadd.s32 $0xFFFFED40  }
0xb8: {  	[spmem:s2] =	stream.indirect.scatter.add.f32 [tilespmem:s29], [sflag:$0x12], $0x30, s18, s14, $0xb8;
	[tilespmem:$0x181F0] =	vst v63  }
0xb9: {  	_ =	swait.ge [sflag:s13], $0x12C0  }
0xba: {  	[sflag:s13] =	ssyncset.done $0x0  }
0xbb: {  	s18 =	sadd.s32 $0x2BE0, s19;
	[sflag:s13] =	ssyncadd.s32 $0xFFFFED40  }
0xbc: {  	[spmem:s2] =	stream.indirect.scatter.add.f32 [tilespmem:s30], [sflag:$0x13], $0x30, s18, s14, $0xb8;
	[tilespmem:$0x181F0] =	vst v63  }
0xbd: {  	_ =	swait.ge [sflag:s3], $0x12C0  }
0xbe: {  	[sflag:s3] =	ssyncset.done $0x0  }
0xbf: {  	s18 =	sadd.s32 $0x2C48, s19;
	[sflag:s3] =	ssyncadd.s32 $0xFFFFED40  }
0xc0: {  	[spmem:s2] =	stream.indirect.scatter.add.f32 [tilespmem:s31], [sflag:$0x14], $0x30, s18, s14, $0xb8;
	[tilespmem:$0x181F0] =	vst v63  }
0xc1: {  	_ =	swait.ge [sflag:s5], $0x12C0  }
0xc2: {  	[sflag:s5] =	ssyncset.done $0x0  }
0xc3: {  	[sflag:s5] =	ssyncadd.s32 $0xFFFFED40  }
0xc4: {  	_ =	swait.ge [sflag:s7], $0x12C0  }
0xc5: {  	[sflag:s7] =	ssyncset.done $0x0  }
0xc6: {  	[sflag:s7] =	ssyncadd.s32 $0xFFFFED40  }
0xc7: {  	_ =	swait.ge [sflag:s8], $0x12C0  }
0xc8: {  	[sflag:s8] =	ssyncset.done $0x0  }
0xc9: {  	[sflag:s8] =	ssyncadd.s32 $0xFFFFED40  }
0xca: {  	_ =	swait.ge [sflag:s9], $0x12C0  }
0xcb: {  	[sflag:s9] =	ssyncset.done $0x0  }
0xcc: {  	[sflag:s9] =	ssyncadd.s32 $0xFFFFED40  }
0xcd: {  	_ =	swait.ge [sflag:s10], $0x12C0  }
0xce: {  	[sflag:s10] =	ssyncset.done $0x0  }
0xcf: {  	[sflag:s10] =	ssyncadd.s32 $0xFFFFED40  }
0xd0: {  	_ =	swait.ge [sflag:s6], $0x12C0  }
0xd1: {  	[sflag:s6] =	ssyncset.done $0x0  }
0xd2: {  	[sflag:s6] =	ssyncadd.s32 $0xFFFFED40  }
0xd3: {  	_ =	swait.ge [sflag:s11], $0x12C0  }
0xd4: {  	[sflag:s11] =	ssyncset.done $0x0  }
0xd5: {  	[sflag:s11] =	ssyncadd.s32 $0xFFFFED40  }
0xd6: {  	_ =	swait.ge [sflag:s12], $0x12C0  }
0xd7: {  	[sflag:s12] =	ssyncset.done $0x0  }
0xd8: {  	[sflag:s12] =	ssyncadd.s32 $0xFFFFED40  }
.Ltmp0:
0xd9: {  	_ =	swait.ge [sflag:s15], $0x12C0;
	(pc) =	sbr.rel @p0 .LBB2_2-.Ltmp0, $4  }
0xda: {  	[sflag:s15] =	ssyncset.done $0x0  }
0xdb: {  	[sflag:s15] =	ssyncadd.s32 $0xFFFFED40  }
0xdc: {  	_ =	swait.ge [sflag:s16], $0x12C0  }
0xdd: {  	s18 =	smov.u32 s20;
	[sflag:s16] =	ssyncset.done $0x0  }
0xde: {  	s17 =	sshra.s32 s17, $0x2;
	[sflag:s16] =	ssyncadd.s32 $0xFFFFED40;
	s19 =	simm.s32 $0x5140  }
0xdf: {  	[tilespmem:s19], [sflag:$0x1] =	stream.indirect.gather [hbm4b:s4+s14], $0x30, s17, s14, $0xb8;
	[tilespmem:$0x181F0] =	vst v63  }
0xe0: {  	s20 =	simm.s32 $0x6400;
	s18 =	sadd.s32 $0x68, s17  }
0xe1: {  	[tilespmem:s20], [sflag:$0x2] =	stream.indirect.gather [hbm4b:s4+s14], $0x30, s18, s14, $0xb8;
	[tilespmem:$0x181F0] =	vst v63  }
0xe2: {  	s21 =	simm.s32 $0x76C0;
	s22 =	sadd.s32 $0xD0, s17  }
0xe3: {  	[tilespmem:s21], [sflag:$0x3] =	stream.indirect.gather [hbm4b:s4+s14], $0x30, s22, s14, $0xb8;
	[tilespmem:$0x181F0] =	vst v63  }
0xe4: {  	s23 =	sadd.s32 $0x138, s17;
	s22 =	simm.s32 $0x8980  }
0xe5: {  	[tilespmem:s22], [sflag:$0x4] =	stream.indirect.gather [hbm4b:s4+s14], $0x30, s23, s14, $0xb8;
	[tilespmem:$0x181F0] =	vst v63  }
0xe6: {  	s24 =	sadd.s32 $0x1A0, s17;
	s23 =	simm.s32 $0x9C40  }
0xe7: {  	[tilespmem:s23], [sflag:$0x5] =	stream.indirect.gather [hbm4b:s4+s14], $0x30, s24, s14, $0xb8;
	[tilespmem:$0x181F0] =	vst v63  }
0xe8: {  	s25 =	sadd.s32 $0x208, s17;
	s24 =	simm.s32 $0xAF00  }
0xe9: {  	[tilespmem:s24], [sflag:$0x6] =	stream.indirect.gather [hbm4b:s4+s14], $0x30, s25, s14, $0xb8;
	[tilespmem:$0x181F0] =	vst v63  }
0xea: {  	s26 =	sadd.s32 $0x270, s17;
	s25 =	simm.s32 $0xC1C0  }
0xeb: {  	[tilespmem:s25], [sflag:$0x7] =	stream.indirect.gather [hbm4b:s4+s14], $0x30, s26, s14, $0xb8;
	[tilespmem:$0x181F0] =	vst v63  }
0xec: {  	s28 =	sadd.s32 $0x2D8, s17;
	s26 =	simm.s32 $0xD480  }
0xed: {  	[tilespmem:s26], [sflag:$0x8] =	stream.indirect.gather [hbm4b:s4+s14], $0x30, s28, s14, $0xb8;
	[tilespmem:$0x181F0] =	vst v63  }
0xee: {  	s29 =	sadd.s32 $0x340, s17;
	s28 =	simm.s32 $0xE740  }
0xef: {  	[tilespmem:s28], [sflag:$0x9] =	stream.indirect.gather [hbm4b:s4+s14], $0x30, s29, s14, $0xb8;
	[tilespmem:$0x181F0] =	vst v63  }
0xf0: {  	s18 =	sadd.s32 $0x3A8, s17;
	s29 =	simm.s32 $0xFA00  }
0xf1: {  	[tilespmem:s29], [sflag:$0xA] =	stream.indirect.gather [hbm4b:s4+s14], $0x30, s18, s14, $0xb8;
	[tilespmem:$0x181F0] =	vst v63  }
0xf2: {  	s18 =	simm.s32 $0x1  }
0xf3: {  	_ =	swait.ge [sflag:s18], $0x12C0  }
0xf4: {  	[sflag:s18] =	ssyncset.done $0x0  }
0xf5: {  	[sflag:s18] =	ssyncadd.s32 $0xFFFFED40;
	s18 =	sadd.s32 $0x28A0, s17  }
0xf6: {  	[spmem:s2] =	stream.indirect.scatter.add.f32 [tilespmem:s19], [sflag:$0xB], $0x30, s18, s14, $0xb8;
	[tilespmem:$0x181F0] =	vst v63  }
0xf7: {  	s19 =	simm.s32 $0x2  }
0xf8: {  	_ =	swait.ge [sflag:s19], $0x12C0  }
0xf9: {  	[sflag:s19] =	ssyncset.done $0x0  }
0xfa: {  	[sflag:s19] =	ssyncadd.s32 $0xFFFFED40;
	s19 =	sadd.s32 $0x2908, s17  }
0xfb: {  	[spmem:s2] =	stream.indirect.scatter.add.f32 [tilespmem:s20], [sflag:$0xC], $0x30, s19, s14, $0xb8;
	[tilespmem:$0x181F0] =	vst v63  }
0xfc: {  	s20 =	simm.s32 $0x3  }
0xfd: {  	_ =	swait.ge [sflag:s20], $0x12C0  }
0xfe: {  	[sflag:s20] =	ssyncset.done $0x0  }
0xff: {  	s19 =	sadd.s32 $0x2970, s17;
	[sflag:s20] =	ssyncadd.s32 $0xFFFFED40;
	s20 =	simm.s32 $0x4  }
0x100: {  	[spmem:s2] =	stream.indirect.scatter.add.f32 [tilespmem:s21], [sflag:$0xD], $0x30, s19, s14, $0xb8;
	[tilespmem:$0x181F0] =	vst v63  }
0x101: {  	_ =	swait.ge [sflag:s20], $0x12C0  }
0x102: {  	[sflag:s20] =	ssyncset.done $0x0  }
0x103: {  	s21 =	sadd.s32 $0x29D8, s17;
	s19 =	simm.s32 $0x5;
	[sflag:s20] =	ssyncadd.s32 $0xFFFFED40  }
0x104: {  	[spmem:s2] =	stream.indirect.scatter.add.f32 [tilespmem:s22], [sflag:$0xE], $0x30, s21, s14, $0xb8;
	[tilespmem:$0x181F0] =	vst v63  }
0x105: {  	_ =	swait.ge [sflag:s19], $0x12C0  }
0x106: {  	[sflag:s19] =	ssyncset.done $0x0  }
0x107: {  	s20 =	sadd.s32 $0x2A40, s17;
	s21 =	simm.s32 $0x6;
	[sflag:s19] =	ssyncadd.s32 $0xFFFFED40  }
0x108: {  	[spmem:s2] =	stream.indirect.scatter.add.f32 [tilespmem:s23], [sflag:$0xF], $0x30, s20, s14, $0xb8;
	[tilespmem:$0x181F0] =	vst v63  }
0x109: {  	_ =	swait.ge [sflag:s21], $0x12C0  }
0x10a: {  	[sflag:s21] =	ssyncset.done $0x0  }
0x10b: {  	s22 =	sadd.s32 $0x2AA8, s17;
	[sflag:s21] =	ssyncadd.s32 $0xFFFFED40  }
0x10c: {  	[spmem:s2] =	stream.indirect.scatter.add.f32 [tilespmem:s24], [sflag:$0x10], $0x30, s22, s14, $0xb8;
	[tilespmem:$0x181F0] =	vst v63  }
0x10d: {  	_ =	swait.ge [sflag:s1], $0x12C0  }
0x10e: {  	[sflag:s1] =	ssyncset.done $0x0  }
0x10f: {  	s23 =	sadd.s32 $0x2B10, s17;
	[sflag:s1] =	ssyncadd.s32 $0xFFFFED40  }
0x110: {  	[spmem:s2] =	stream.indirect.scatter.add.f32 [tilespmem:s25], [sflag:$0x11], $0x30, s23, s14, $0xb8;
	[tilespmem:$0x181F0] =	vst v63  }
0x111: {  	_ =	swait.ge [sflag:s0], $0x12C0  }
0x112: {  	[sflag:s0] =	ssyncset.done $0x0  }
0x113: {  	s24 =	sadd.s32 $0x2B78, s17;
	[sflag:s0] =	ssyncadd.s32 $0xFFFFED40  }
0x114: {  	[spmem:s2] =	stream.indirect.scatter.add.f32 [tilespmem:s26], [sflag:$0x12], $0x30, s24, s14, $0xb8;
	[tilespmem:$0x181F0] =	vst v63  }
0x115: {  	_ =	swait.ge [sflag:s13], $0x12C0  }
0x116: {  	[sflag:s13] =	ssyncset.done $0x0  }
0x117: {  	s25 =	sadd.s32 $0x2BE0, s17;
	[sflag:s13] =	ssyncadd.s32 $0xFFFFED40  }
0x118: {  	[spmem:s2] =	stream.indirect.scatter.add.f32 [tilespmem:s28], [sflag:$0x13], $0x30, s25, s14, $0xb8;
	[tilespmem:$0x181F0] =	vst v63  }
0x119: {  	_ =	swait.ge [sflag:s3], $0x12C0  }
0x11a: {  	[sflag:s3] =	ssyncset.done $0x0  }
0x11b: {  	s17 =	sadd.s32 $0x2C48, s17;
	[sflag:s3] =	ssyncadd.s32 $0xFFFFED40  }
0x11c: {  	[spmem:s2] =	stream.indirect.scatter.add.f32 [tilespmem:s29], [sflag:$0x14], $0x30, s17, s14, $0xb8;
	[tilespmem:$0x181F0] =	vst v63  }
0x11d: {  	_ =	swait.ge [sflag:s5], $0x12C0  }
0x11e: {  	[sflag:s5] =	ssyncset.done $0x0  }
0x11f: {  	[sflag:s5] =	ssyncadd.s32 $0xFFFFED40  }
0x120: {  	_ =	swait.ge [sflag:s7], $0x12C0  }
0x121: {  	[sflag:s7] =	ssyncset.done $0x0  }
0x122: {  	[sflag:s7] =	ssyncadd.s32 $0xFFFFED40  }
0x123: {  	_ =	swait.ge [sflag:s8], $0x12C0  }
0x124: {  	[sflag:s8] =	ssyncset.done $0x0  }
0x125: {  	[sflag:s8] =	ssyncadd.s32 $0xFFFFED40  }
0x126: {  	_ =	swait.ge [sflag:s9], $0x12C0  }
0x127: {  	[sflag:s9] =	ssyncset.done $0x0  }
0x128: {  	[sflag:s9] =	ssyncadd.s32 $0xFFFFED40  }
0x129: {  	_ =	swait.ge [sflag:s10], $0x12C0  }
0x12a: {  	[sflag:s10] =	ssyncset.done $0x0  }
0x12b: {  	[sflag:s10] =	ssyncadd.s32 $0xFFFFED40  }
0x12c: {  	_ =	swait.ge [sflag:s6], $0x12C0  }
0x12d: {  	[sflag:s6] =	ssyncset.done $0x0  }
0x12e: {  	[sflag:s6] =	ssyncadd.s32 $0xFFFFED40  }
0x12f: {  	_ =	swait.ge [sflag:s11], $0x12C0  }
0x130: {  	[sflag:s11] =	ssyncset.done $0x0  }
0x131: {  	[sflag:s11] =	ssyncadd.s32 $0xFFFFED40  }
0x132: {  	_ =	swait.ge [sflag:s12], $0x12C0  }
0x133: {  	[sflag:s12] =	ssyncset.done $0x0  }
0x134: {  	[sflag:s12] =	ssyncadd.s32 $0xFFFFED40  }
0x135: {  	_ =	swait.ge [sflag:s15], $0x12C0  }
0x136: {  	[sflag:s15] =	ssyncset.done $0x0  }
0x137: {  	[sflag:s15] =	ssyncadd.s32 $0xFFFFED40  }
0x138: {  	_ =	swait.ge [sflag:s16], $0x12C0  }
0x139: {  	[sflag:s16] =	ssyncset.done $0x0  }
0x13a: {  	[sflag:s16] =	ssyncadd.s32 $0xFFFFED40  }
0x13b: {  	[bflag:$0x0] =	sbarrier.arrive $0xFFFF  }
0x13c: {  	s18 =	rddreg [dreg:$0x5]  }
0x13d: {  	s26 =	rddreg [dreg:$0x8]  }
0x13e: {  	s20 =	simm.s32 $0x15;
	s19 =	rddreg [dreg:$0xa]  }
0x13f: {  	[hbm:s26], [sflag:s18] =	dma.local [spmem:s19], $0xEA6  }
0x140: {  	_ =	swait.ge [sflag:s20], $0xEA6  }
0x141: {  	s28 =	rddreg [dreg:$0xb]  }
0x142: {  	s29 =	rddreg [dreg:$0x9];
	s21 =	sadd.s32 $0x1, s28  }
0x143: {  	p0 =	sne.s32 s21, s29  }
.Ltmp1:
0x144: {  	_ = 	snop;
	(pc) =	sbr.rel @p0 .LBB2_1-.Ltmp1, $3  }
0x145: {  	_ =	sdelay $0x1  }
0x146: {  	[sflag:s20] =	ssyncset.done $0x0  }
0x147: {  	[sflag:s20] =	ssyncadd.s32 $0xFFFFF15A  }
0x148: {  	_ =	sfence.sel $0x180000  }
0x149: {  	[bflag:$0x0] =	sbarrier.arrive $0xFFFF  }
0x14a: {  	_ =	strace $0x90000047  }
0x14b: {  	s0 =	stileid.u32;
	[bflag:$0x2] =	sbarrier.arrive $0xFFFF  }
0x14c: {  	p0 =	sne.s32 s0, $0x0;
	s0 =	rddreg [dreg:$0x3]  }
0x14d: {  	s0 =	sadd.s32 @!p0 $0x100000, s0  }
0x14e: {  	[sflag:s0] =	ssyncadd.tile.s32 @!p0 $0x1;
	_ =	shalt  }
.Lfunc_end2:
_tile_overlayer_lowered:
.L_overlay_start_2:
0x14f: {  	(tag) =	ssettag $0x2  }
0x150: {  	s0 =	rddreg [dreg:$0x0];
	s2 =	stileid.u32  }
0x151: {  	s1 =	rddreg [dreg:$0x1];
	p0 =	sne.s32 s2, $0x0  }
0x152: {  	s3 =	rddreg [dreg:$0x2];
	[bflag:$0x3] =	sbarrier.arrive $0xFFFF;
	s2 =	simm.s32 @!p0 $0x1C15  }
0x153: {  	[timem:s3], [sflag:s2] =	dma.local @!p0 [hbm:s0], s1  }
0x154: {  	s0 =	simm.s32 @!p0 $0x15  }
0x155: {  	_ =	swait.ge @!p0 [sflag:s0], s1  }
0x156: {  	s1 =	ssub.s32 @!p0 $0x0, s1;
	[sflag:s0] =	ssyncset.done @!p0 $0x0  }
0x157: {  	[sflag:s0] =	ssyncadd.s32 @!p0 s1  }
0x158: {  	[bflag:$0x3] =	sbarrier.arrive $0xFFFF  }
0x159: {  	_ =	shalt  }

</sc_bundles>
